<compile_context>
chip_gen: v7x
topology: tpu7x:2x2x1
jax: 0.10.2.dev20260603
libtpu: 0.0.44.dev20260713+nightly
codegen_flags: <defaults>
</compile_context>

<pallas_src>
import functools

import jax
import jax.numpy as jnp
from jax import lax
from jax.experimental import pallas as pl
from jax.experimental.pallas import tpu as pltpu
from jax.experimental.pallas import tpu_sc as plsc

N = 10000
E = 320000
D = 128
NP = 10112
NTILES = 16
L_CH = 256
E_PAD = 327680
CH_PER_TILE = E_PAD // (NTILES * L_CH)
DEG_CH_PER_TILE = E_PAD // (2 * NTILES * L_CH)
ROWS_PER_TILE = NP // NTILES



_sc_mesh = plsc.VectorSubcoreMesh(core_axis_name="c", subcore_axis_name="s")


@functools.partial(
    pl.kernel,
    mesh=_sc_mesh,
    out_type=jax.ShapeDtypeStruct((2, NP, D), jnp.float32),
    scratch_types=[
        pltpu.VMEM((L_CH,), jnp.int32),
        pltpu.VMEM((L_CH,), jnp.int32),
        pltpu.VMEM((L_CH, D), jnp.float32),
        pltpu.VMEM_SHARED((NP, D), jnp.float32),
        pltpu.SemaphoreType.DMA,
    ],
)
def _sc_agg(src_hbm, dst_hbm, m_hbm, zeros_hbm, out_hbm,
            sidx, didx, rows, acc, sem):
    c = lax.axis_index("c")
    s = lax.axis_index("s")

    r0 = pl.multiple_of(s * ROWS_PER_TILE, 8)
    pltpu.sync_copy(zeros_hbm, acc.at[pl.ds(r0, ROWS_PER_TILE)])
    plsc.subcore_barrier()

    e_base = s * (CH_PER_TILE * L_CH)

    def body(i, carry):
        b = e_base + i * L_CH
        pltpu.sync_copy(src_hbm.at[c, pl.ds(b, L_CH)], sidx)
        pltpu.sync_copy(dst_hbm.at[pl.ds(b, L_CH)], didx)
        pltpu.async_copy(m_hbm.at[sidx], rows, sem).wait()
        pltpu.sync_copy(rows, acc.at[didx], add=True)
        return carry

    lax.fori_loop(0, CH_PER_TILE, body, 0)
    plsc.subcore_barrier()

    pltpu.sync_copy(acc.at[pl.ds(r0, ROWS_PER_TILE)],
                    out_hbm.at[c, pl.ds(r0, ROWS_PER_TILE)])


@functools.partial(
    pl.kernel,
    mesh=_sc_mesh,
    out_type=jax.ShapeDtypeStruct((2, NP, D), jnp.float32),
    scratch_types=[
        pltpu.VMEM((L_CH,), jnp.int32),
        pltpu.VMEM((L_CH, D), jnp.float32),
        pltpu.VMEM_SHARED((NP, D), jnp.float32),
        pltpu.SemaphoreType.DMA,
    ],
)
def _sc_deg(dst_hbm, ones_hbm, zeros_hbm, out_hbm, didx, ones_v, acc, sem):
    c = lax.axis_index("c")
    s = lax.axis_index("s")

    r0 = pl.multiple_of(s * ROWS_PER_TILE, 8)
    pltpu.sync_copy(zeros_hbm, acc.at[pl.ds(r0, ROWS_PER_TILE)])
    pltpu.sync_copy(ones_hbm, ones_v)
    plsc.subcore_barrier()

    e_base = c * (E_PAD // 2) + s * (DEG_CH_PER_TILE * L_CH)

    def body(i, carry):
        b = e_base + i * L_CH
        pltpu.sync_copy(dst_hbm.at[pl.ds(b, L_CH)], didx)
        pltpu.sync_copy(ones_v, acc.at[didx], add=True)
        return carry

    lax.fori_loop(0, DEG_CH_PER_TILE, body, 0)
    plsc.subcore_barrier()

    pltpu.sync_copy(acc.at[pl.ds(r0, ROWS_PER_TILE)],
                    out_hbm.at[c, pl.ds(r0, ROWS_PER_TILE)])



_GRID = 8
_RB = (2 * NP) // _GRID


def _bf16_dot(a, b):
    return jnp.dot(a.astype(jnp.bfloat16), b.astype(jnp.bfloat16),
                   preferred_element_type=jnp.float32)


def _tc_mm_body(x_ref, w_ref, b_ref, o_ref):
    o_ref[...] = _bf16_dot(x_ref[...], w_ref[...]) + b_ref[...]


def _tc_norm_mm_body(a_ref, dg_ref, w_ref, b_ref, o_ref):
    deg = jnp.maximum(dg_ref[0] + dg_ref[1], 1.0)
    h = jnp.maximum(a_ref[...] / deg, 0.0)
    o_ref[...] = _bf16_dot(h, w_ref[...]) + b_ref[...]


def _tc_disc_body(a_ref, dg_ref, wd_ref, o_ref):
    a = a_ref[...]
    deg = jnp.maximum(dg_ref[0] + dg_ref[1], 1.0)
    h = jnp.maximum(a[:NP] / deg, 0.0)
    hs = jnp.maximum(a[NP:] / deg, 0.0)
    s = jnp.sum(h[:N], axis=0) / jnp.float32(N)
    ws = _bf16_dot(wd_ref[...], s[:, None])[:, 0]
    d = _bf16_dot(h, ws[:, None])[:, 0]
    dsh = _bf16_dot(hs, ws[:, None])[:, 0]
    o_ref[...] = jnp.concatenate([d, dsh], axis=0)[:, None]


def _tc_mm(xs, w, b):
    return pl.pallas_call(
        _tc_mm_body,
        grid=(_GRID,),
        in_specs=[
            pl.BlockSpec((_RB, D), lambda i: (i, 0)),
            pl.BlockSpec((D, D), lambda i: (0, 0)),
            pl.BlockSpec((1, D), lambda i: (0, 0)),
        ],
        out_specs=pl.BlockSpec((_RB, D), lambda i: (i, 0)),
        out_shape=jax.ShapeDtypeStruct((2 * NP, D), jnp.float32),
    )(xs, w, b)


def _tc_norm_mm(a, deg2, w, b):
    return pl.pallas_call(
        _tc_norm_mm_body,
        grid=(_GRID,),
        in_specs=[
            pl.BlockSpec((_RB, D), lambda i: (i, 0)),
            pl.BlockSpec((2, _RB, D), lambda i: (0, i % 4, 0)),
            pl.BlockSpec((D, D), lambda i: (0, 0)),
            pl.BlockSpec((1, D), lambda i: (0, 0)),
        ],
        out_specs=pl.BlockSpec((_RB, D), lambda i: (i, 0)),
        out_shape=jax.ShapeDtypeStruct((2 * NP, D), jnp.float32),
    )(a, deg2, w, b)


def _tc_disc(a, deg2, wd):
    return pl.pallas_call(
        _tc_disc_body,
        out_shape=jax.ShapeDtypeStruct((2 * NP, 1), jnp.float32),
    )(a, deg2, wd)



def kernel(edge_index, x, shuffled_x, W0, b0, W1, b1, Wd):
    ei = edge_index.astype(jnp.int32)
    src, dst = ei[0], ei[1]
    pad = E_PAD - E
    srcp = jnp.concatenate([src, jnp.zeros((pad,), jnp.int32)])
    dstp = jnp.concatenate([dst, jnp.full((pad,), N, jnp.int32)])
    src2 = jnp.stack([srcp, srcp + NP])

    zpad = jnp.zeros((NP - N, D), jnp.float32)
    xs = jnp.concatenate([x, zpad, shuffled_x, zpad], axis=0)
    zeros_blk = jnp.zeros((ROWS_PER_TILE, D), jnp.float32)
    ones_blk = jnp.ones((L_CH, D), jnp.float32)
    b0r = b0.reshape(1, D)
    b1r = b1.reshape(1, D)

    deg2 = _sc_deg(dstp, ones_blk, zeros_blk)
    m0 = _tc_mm(xs, W0, b0r)
    a1 = _sc_agg(src2, dstp, m0, zeros_blk).reshape(2 * NP, D)
    m1 = _tc_norm_mm(a1, deg2, W1, b1r)
    a2 = _sc_agg(src2, dstp, m1, zeros_blk).reshape(2 * NP, D)
    d = _tc_disc(a2, deg2, Wd)[:, 0]

    return jnp.concatenate([d[:N], d[NP:NP + N]], axis=0)

# --- scband reference (transcript-rebuilt; emitter-appended) ---
"""Pipeline reference for scband-dimp-52175262712126 (READ-ONLY COPY).

The authoritative reference and input builder live on the scoring server;
editing this copy changes nothing except your own understanding.
"""

import jax, jax.numpy as jnp
import numpy as np

N_NODES = 10000
N_EDGES = 320000
D_IN = 128
D_HID = 128


def dimp_layer(h, edge_index, W, b):
    # linear transform then mean aggregation over incoming edges (GCN-style message passing)
    m = h @ W + b
    src = edge_index[0]
    dst = edge_index[1]
    agg = jax.ops.segment_sum(jnp.take(m, src, axis=0), dst, num_segments=N_NODES)
    deg = jax.ops.segment_sum(jnp.ones((src.shape[0],), dtype=m.dtype), dst, num_segments=N_NODES)
    out = agg / jnp.maximum(deg, 1.0)[:, None]
    return jax.nn.relu(out)


def setup_inputs(seed: int = 0) -> dict:
    key = jax.random.key(seed)
    k1, k2, k3, k4, k5, k6, k7, k8 = jax.random.split(key, 8)
    edge_index = jax.random.randint(k1, (2, N_EDGES), 0, N_NODES, dtype=jnp.int64)
    x = jax.random.normal(k2, (N_NODES, D_IN), dtype=jnp.float32)
    shuffled_x = jax.random.normal(k3, (N_NODES, D_IN), dtype=jnp.float32)
    W0 = jax.random.normal(k4, (D_IN, D_HID), dtype=jnp.float32) * (1.0 / np.sqrt(D_IN))
    b0 = jnp.zeros((D_HID,), dtype=jnp.float32)
    W1 = jax.random.normal(k5, (D_HID, D_HID), dtype=jnp.float32) * (1.0 / np.sqrt(D_HID))
    b1 = jnp.zeros((D_HID,), dtype=jnp.float32)
    Wd = jax.random.normal(k6, (D_HID, D_HID), dtype=jnp.float32) * (1.0 / np.sqrt(D_HID))
    return {"edge_index": edge_index, "x": x, "shuffled_x": shuffled_x,
            "W0": W0, "b0": b0, "W1": W1, "b1": b1, "Wd": Wd}


def reference(edge_index, x, shuffled_x, W0, b0, W1, b1, Wd):
    # original branch
    h = dimp_layer(x, edge_index, W0, b0)
    h = dimp_layer(h, edge_index, W1, b1)
    s = jnp.mean(h, 0)
    # shuffled branch
    sh = dimp_layer(shuffled_x, edge_index, W0, b0)
    sh = dimp_layer(sh, edge_index, W1, b1)
    # bilinear discriminator: score_i = h_i^T Wd s
    ws = Wd @ s
    d_h = h @ ws
    d_sh = sh @ ws
    disc_out = jnp.concatenate((d_h, d_sh), 0)
    return disc_out

if __name__ == "__main__":
    import jax
    _d = setup_inputs()
    print(jax.jit(kernel)(*tuple(_d.values())))

</pallas_src>

<mosaic_0001>
#map = affine_map<(d0, d1) -> (0, 0)>
#map1 = affine_map<(d0, d1) -> (0)>
#map2 = affine_map<(d0, d1) -> (0, 0, 0)>
module attributes {stable_mosaic.version = 14 : i64} {
  func.func @_sc_agg(%arg0: i32, %arg1: i32, %arg2: memref<2x327680xi32, #tpu.memory_space<hbm>>, %arg3: memref<327680xi32, #tpu.memory_space<hbm>>, %arg4: memref<20224x128xf32, #tpu.memory_space<hbm>>, %arg5: memref<632x128xf32, #tpu.memory_space<hbm>>, %arg6: memref<2x10112x128xf32, #tpu.memory_space<hbm>>, %arg7: memref<256xi32, #tpu.memory_space<vmem>>, %arg8: memref<256xi32, #tpu.memory_space<vmem>>, %arg9: memref<256x128xf32, #tpu.memory_space<vmem>>, %arg10: memref<10112x128xf32, #tpu.memory_space<vmem_shared>>, %arg11: memref<!tpu.dma_semaphore, #tpu.memory_space<semaphore_mem>>) attributes {dimension_semantics = [#tpu.dimension_semantics<core_parallel>, #tpu.dimension_semantics<subcore_parallel>], iteration_bounds = array<i64: 2, 16>, scalar_prefetch = 0 : i64, scratch_operands = 5 : i64, tpu.core_type = #tpu.core_type<sc_vector_subcore>, window_params = [{transform_indices = #map}, {transform_indices = #map1}, {transform_indices = #map}, {transform_indices = #map}, {transform_indices = #map2}]} {
    %mul3A = arith.constant 632 : i32
    %mul3A_0 = arith.muli %arg1, %mul3A : i32
    %multiple_of3A = tpu.assume_multiple %mul3A_0, 8 : i32
    "tpu.region"() ({
      %run_scoped3A = tpu.sem_alloc : memref<!tpu.dma_semaphore, #tpu.memory_space<semaphore_mem>>
      %dma_start3A = arith.constant 0 : i32
      %dma_start3A_9 = tpu.memref_slice %arg10[%multiple_of3A, %dma_start3A] : memref<10112x128xf32, #tpu.memory_space<vmem_shared>> -> memref<632x128xf32, #tpu.memory_space<vmem_shared>>
      tpu.enqueue_dma source(%arg5 : memref<632x128xf32, #tpu.memory_space<hbm>>) target(%dma_start3A_9 : memref<632x128xf32, #tpu.memory_space<vmem_shared>>) target_semaphore(%run_scoped3A : memref<!tpu.dma_semaphore, #tpu.memory_space<semaphore_mem>>)
      %dma_wait3A = arith.constant 0 : i32
      %dma_wait3A_10 = tpu.memref_slice %arg10[%multiple_of3A, %dma_wait3A] : memref<10112x128xf32, #tpu.memory_space<vmem_shared>> -> memref<632x128xf32, #tpu.memory_space<vmem_shared>>
      tpu.wait_dma2 semaphore(%run_scoped3A : memref<!tpu.dma_semaphore, #tpu.memory_space<semaphore_mem>>) src(%arg5 : memref<632x128xf32, #tpu.memory_space<hbm>>) dst(%dma_wait3A_10 : memref<632x128xf32, #tpu.memory_space<vmem_shared>>)
      tpu.yield
    }) : () -> ()
    %barrier3A = arith.constant 0 : index
    tpu.barrier barrier_id(%barrier3A)
    %mul3A_1 = arith.constant 20480 : i32
    %mul3A_2 = arith.muli %arg1, %mul3A_1 : i32
    %scan3A = arith.constant 0 : i32
    %scan3A_3 = arith.constant 0 : i32
    %scan3A_4 = arith.constant 80 : i32
    %scan3A_5 = arith.addi %scan3A_3, %scan3A_4 : i32
    %scan3A_6 = arith.constant 1 : i32
    scf.for %scan3A_9 = %scan3A_3 to %scan3A_5 step %scan3A_6  : i32 {
      %mul3A_10 = arith.constant 256 : i32
      %mul3A_11 = arith.muli %scan3A_9, %mul3A_10 : i32
      %add3A = arith.addi %mul3A_2, %mul3A_11 : i32
      "tpu.region"() ({
        %run_scoped3A = tpu.sem_alloc : memref<!tpu.dma_semaphore, #tpu.memory_space<semaphore_mem>>
        %dma_start3A_16 = tpu.memref_slice %arg2[%arg0, %add3A] : memref<2x327680xi32, #tpu.memory_space<hbm>> -> memref<1x256xi32, #tpu.memory_space<hbm>>
        %dma_start3A_17 = tpu.memref_squeeze %dma_start3A_16 : memref<1x256xi32, #tpu.memory_space<hbm>> -> memref<256xi32, #tpu.memory_space<hbm>>
        %dma_start3A_18 = tpu.memref_slice %arg2[%arg0, %add3A] : memref<2x327680xi32, #tpu.memory_space<hbm>> -> memref<1x256xi32, #tpu.memory_space<hbm>>
        %dma_start3A_19 = tpu.memref_squeeze %dma_start3A_18 : memref<1x256xi32, #tpu.memory_space<hbm>> -> memref<256xi32, #tpu.memory_space<hbm>>
        tpu.enqueue_dma source(%dma_start3A_19 : memref<256xi32, #tpu.memory_space<hbm>>) target(%arg7 : memref<256xi32, #tpu.memory_space<vmem>>) target_semaphore(%run_scoped3A : memref<!tpu.dma_semaphore, #tpu.memory_space<semaphore_mem>>)
        %dma_wait3A_20 = tpu.memref_slice %arg2[%arg0, %add3A] : memref<2x327680xi32, #tpu.memory_space<hbm>> -> memref<1x256xi32, #tpu.memory_space<hbm>>
        %dma_wait3A_21 = tpu.memref_squeeze %dma_wait3A_20 : memref<1x256xi32, #tpu.memory_space<hbm>> -> memref<256xi32, #tpu.memory_space<hbm>>
        %dma_wait3A_22 = tpu.memref_slice %arg2[%arg0, %add3A] : memref<2x327680xi32, #tpu.memory_space<hbm>> -> memref<1x256xi32, #tpu.memory_space<hbm>>
        %dma_wait3A_23 = tpu.memref_squeeze %dma_wait3A_22 : memref<1x256xi32, #tpu.memory_space<hbm>> -> memref<256xi32, #tpu.memory_space<hbm>>
        tpu.wait_dma2 semaphore(%run_scoped3A : memref<!tpu.dma_semaphore, #tpu.memory_space<semaphore_mem>>) src(%dma_wait3A_23 : memref<256xi32, #tpu.memory_space<hbm>>) dst(%arg7 : memref<256xi32, #tpu.memory_space<vmem>>)
        tpu.yield
      }) : () -> ()
      "tpu.region"() ({
        %run_scoped3A = tpu.sem_alloc : memref<!tpu.dma_semaphore, #tpu.memory_space<semaphore_mem>>
        %dma_start3A_16 = tpu.memref_slice %arg3[%add3A] : memref<327680xi32, #tpu.memory_space<hbm>> -> memref<256xi32, #tpu.memory_space<hbm>>
        %dma_start3A_17 = tpu.memref_slice %arg3[%add3A] : memref<327680xi32, #tpu.memory_space<hbm>> -> memref<256xi32, #tpu.memory_space<hbm>>
        tpu.enqueue_dma source(%dma_start3A_17 : memref<256xi32, #tpu.memory_space<hbm>>) target(%arg8 : memref<256xi32, #tpu.memory_space<vmem>>) target_semaphore(%run_scoped3A : memref<!tpu.dma_semaphore, #tpu.memory_space<semaphore_mem>>)
        %dma_wait3A_18 = tpu.memref_slice %arg3[%add3A] : memref<327680xi32, #tpu.memory_space<hbm>> -> memref<256xi32, #tpu.memory_space<hbm>>
        %dma_wait3A_19 = tpu.memref_slice %arg3[%add3A] : memref<327680xi32, #tpu.memory_space<hbm>> -> memref<256xi32, #tpu.memory_space<hbm>>
        tpu.wait_dma2 semaphore(%run_scoped3A : memref<!tpu.dma_semaphore, #tpu.memory_space<semaphore_mem>>) src(%dma_wait3A_19 : memref<256xi32, #tpu.memory_space<hbm>>) dst(%arg8 : memref<256xi32, #tpu.memory_space<vmem>>)
        tpu.yield
      }) : () -> ()
      %dma_start3A = arith.constant 0 : i32
      %dma_start3A_12 = arith.constant 0 : i32
      %dma_start3A_13 = tpu.memref_slice %arg4[%dma_start3A, %dma_start3A_12] : memref<20224x128xf32, #tpu.memory_space<hbm>> -> memref<20224x128xf32, #tpu.memory_space<hbm>>
      tpu.enqueue_indirect_dma source(%dma_start3A_13 : memref<20224x128xf32, #tpu.memory_space<hbm>>) target(%arg9 : memref<256x128xf32, #tpu.memory_space<vmem>>) offsets(%arg7 : memref<256xi32, #tpu.memory_space<vmem>>) semaphore(%arg11 : memref<!tpu.dma_semaphore, #tpu.memory_space<semaphore_mem>>)
      %dma_wait3A = arith.constant 0 : i32
      %dma_wait3A_14 = arith.constant 0 : i32
      %dma_wait3A_15 = tpu.memref_slice %arg4[%dma_wait3A, %dma_wait3A_14] : memref<20224x128xf32, #tpu.memory_space<hbm>> -> memref<20224x128xf32, #tpu.memory_space<hbm>>
      tpu.wait_indirect_dma semaphore(%arg11 : memref<!tpu.dma_semaphore, #tpu.memory_space<semaphore_mem>>) src(%dma_wait3A_15 : memref<20224x128xf32, #tpu.memory_space<hbm>>) dst(%arg9 : memref<256x128xf32, #tpu.memory_space<vmem>>)
      "tpu.region"() ({
        %run_scoped3A = tpu.sem_alloc : memref<!tpu.dma_semaphore, #tpu.memory_space<semaphore_mem>>
        %dma_start3A_16 = arith.constant 0 : i32
        %dma_start3A_17 = arith.constant 0 : i32
        %dma_start3A_18 = tpu.memref_slice %arg10[%dma_start3A_16, %dma_start3A_17] : memref<10112x128xf32, #tpu.memory_space<vmem_shared>> -> memref<10112x128xf32, #tpu.memory_space<vmem_shared>>
        tpu.enqueue_indirect_dma source(%arg9 : memref<256x128xf32, #tpu.memory_space<vmem>>) target(%dma_start3A_18 : memref<10112x128xf32, #tpu.memory_space<vmem_shared>>) offsets(%arg8 : memref<256xi32, #tpu.memory_space<vmem>>) semaphore(%run_scoped3A : memref<!tpu.dma_semaphore, #tpu.memory_space<semaphore_mem>>) {add = true}
        %dma_wait3A_19 = arith.constant 0 : i32
        %dma_wait3A_20 = arith.constant 0 : i32
        %dma_wait3A_21 = tpu.memref_slice %arg10[%dma_wait3A_19, %dma_wait3A_20] : memref<10112x128xf32, #tpu.memory_space<vmem_shared>> -> memref<10112x128xf32, #tpu.memory_space<vmem_shared>>
        tpu.wait_indirect_dma semaphore(%run_scoped3A : memref<!tpu.dma_semaphore, #tpu.memory_space<semaphore_mem>>) src(%arg9 : memref<256x128xf32, #tpu.memory_space<vmem>>) dst(%dma_wait3A_21 : memref<10112x128xf32, #tpu.memory_space<vmem_shared>>)
        tpu.yield
      }) : () -> ()
    }
    %scan3A_7 = arith.constant 80 : i32
    %barrier3A_8 = arith.constant 0 : index
    tpu.barrier barrier_id(%barrier3A_8)
    "tpu.region"() ({
      %run_scoped3A = tpu.sem_alloc : memref<!tpu.dma_semaphore, #tpu.memory_space<semaphore_mem>>
      %dma_start3A = arith.constant 0 : i32
      %dma_start3A_9 = tpu.memref_slice %arg6[%arg0, %multiple_of3A, %dma_start3A] : memref<2x10112x128xf32, #tpu.memory_space<hbm>> -> memref<1x632x128xf32, #tpu.memory_space<hbm>>
      %dma_start3A_10 = tpu.memref_squeeze %dma_start3A_9 : memref<1x632x128xf32, #tpu.memory_space<hbm>> -> memref<632x128xf32, #tpu.memory_space<hbm>>
      %dma_start3A_11 = arith.constant 0 : i32
      %dma_start3A_12 = tpu.memref_slice %arg10[%multiple_of3A, %dma_start3A_11] : memref<10112x128xf32, #tpu.memory_space<vmem_shared>> -> memref<632x128xf32, #tpu.memory_space<vmem_shared>>
      tpu.enqueue_dma source(%dma_start3A_12 : memref<632x128xf32, #tpu.memory_space<vmem_shared>>) target(%dma_start3A_10 : memref<632x128xf32, #tpu.memory_space<hbm>>) target_semaphore(%run_scoped3A : memref<!tpu.dma_semaphore, #tpu.memory_space<semaphore_mem>>)
      %dma_wait3A = arith.constant 0 : i32
      %dma_wait3A_13 = tpu.memref_slice %arg6[%arg0, %multiple_of3A, %dma_wait3A] : memref<2x10112x128xf32, #tpu.memory_space<hbm>> -> memref<1x632x128xf32, #tpu.memory_space<hbm>>
      %dma_wait3A_14 = tpu.memref_squeeze %dma_wait3A_13 : memref<1x632x128xf32, #tpu.memory_space<hbm>> -> memref<632x128xf32, #tpu.memory_space<hbm>>
      %dma_wait3A_15 = arith.constant 0 : i32
      %dma_wait3A_16 = tpu.memref_slice %arg10[%multiple_of3A, %dma_wait3A_15] : memref<10112x128xf32, #tpu.memory_space<vmem_shared>> -> memref<632x128xf32, #tpu.memory_space<vmem_shared>>
      tpu.wait_dma2 semaphore(%run_scoped3A : memref<!tpu.dma_semaphore, #tpu.memory_space<semaphore_mem>>) src(%dma_wait3A_16 : memref<632x128xf32, #tpu.memory_space<vmem_shared>>) dst(%dma_wait3A_14 : memref<632x128xf32, #tpu.memory_space<hbm>>)
      tpu.yield
    }) : () -> ()
    return
  }
}

#map = affine_map<(d0, d1) -> (0)>
#map1 = affine_map<(d0, d1) -> (0, 0)>
#map2 = affine_map<(d0, d1) -> (0, 0, 0)>
module attributes {stable_mosaic.version = 14 : i64} {
  func.func @_sc_deg(%arg0: i32, %arg1: i32, %arg2: memref<327680xi32, #tpu.memory_space<hbm>>, %arg3: memref<256x128xf32, #tpu.memory_space<hbm>>, %arg4: memref<632x128xf32, #tpu.memory_space<hbm>>, %arg5: memref<2x10112x128xf32, #tpu.memory_space<hbm>>, %arg6: memref<256xi32, #tpu.memory_space<vmem>>, %arg7: memref<256x128xf32, #tpu.memory_space<vmem>>, %arg8: memref<10112x128xf32, #tpu.memory_space<vmem_shared>>, %arg9: memref<!tpu.dma_semaphore, #tpu.memory_space<semaphore_mem>>) attributes {dimension_semantics = [#tpu.dimension_semantics<core_parallel>, #tpu.dimension_semantics<subcore_parallel>], iteration_bounds = array<i64: 2, 16>, scalar_prefetch = 0 : i64, scratch_operands = 4 : i64, tpu.core_type = #tpu.core_type<sc_vector_subcore>, window_params = [{transform_indices = #map}, {transform_indices = #map1}, {transform_indices = #map1}, {transform_indices = #map2}]} {
    %mul3A = arith.constant 632 : i32
    %mul3A_0 = arith.muli %arg1, %mul3A : i32
    %multiple_of3A = tpu.assume_multiple %mul3A_0, 8 : i32
    "tpu.region"() ({
      %run_scoped3A = tpu.sem_alloc : memref<!tpu.dma_semaphore, #tpu.memory_space<semaphore_mem>>
      %dma_start3A = arith.constant 0 : i32
      %dma_start3A_11 = tpu.memref_slice %arg8[%multiple_of3A, %dma_start3A] : memref<10112x128xf32, #tpu.memory_space<vmem_shared>> -> memref<632x128xf32, #tpu.memory_space<vmem_shared>>
      tpu.enqueue_dma source(%arg4 : memref<632x128xf32, #tpu.memory_space<hbm>>) target(%dma_start3A_11 : memref<632x128xf32, #tpu.memory_space<vmem_shared>>) target_semaphore(%run_scoped3A : memref<!tpu.dma_semaphore, #tpu.memory_space<semaphore_mem>>)
      %dma_wait3A = arith.constant 0 : i32
      %dma_wait3A_12 = tpu.memref_slice %arg8[%multiple_of3A, %dma_wait3A] : memref<10112x128xf32, #tpu.memory_space<vmem_shared>> -> memref<632x128xf32, #tpu.memory_space<vmem_shared>>
      tpu.wait_dma2 semaphore(%run_scoped3A : memref<!tpu.dma_semaphore, #tpu.memory_space<semaphore_mem>>) src(%arg4 : memref<632x128xf32, #tpu.memory_space<hbm>>) dst(%dma_wait3A_12 : memref<632x128xf32, #tpu.memory_space<vmem_shared>>)
      tpu.yield
    }) : () -> ()
    "tpu.region"() ({
      %run_scoped3A = tpu.sem_alloc : memref<!tpu.dma_semaphore, #tpu.memory_space<semaphore_mem>>
      tpu.enqueue_dma source(%arg3 : memref<256x128xf32, #tpu.memory_space<hbm>>) target(%arg7 : memref<256x128xf32, #tpu.memory_space<vmem>>) target_semaphore(%run_scoped3A : memref<!tpu.dma_semaphore, #tpu.memory_space<semaphore_mem>>)
      tpu.wait_dma2 semaphore(%run_scoped3A : memref<!tpu.dma_semaphore, #tpu.memory_space<semaphore_mem>>) src(%arg3 : memref<256x128xf32, #tpu.memory_space<hbm>>) dst(%arg7 : memref<256x128xf32, #tpu.memory_space<vmem>>)
      tpu.yield
    }) : () -> ()
    %barrier3A = arith.constant 0 : index
    tpu.barrier barrier_id(%barrier3A)
    %mul3A_1 = arith.constant 163840 : i32
    %mul3A_2 = arith.muli %arg0, %mul3A_1 : i32
    %mul3A_3 = arith.constant 10240 : i32
    %mul3A_4 = arith.muli %arg1, %mul3A_3 : i32
    %add3A = arith.addi %mul3A_2, %mul3A_4 : i32
    %scan3A = arith.constant 0 : i32
    %scan3A_5 = arith.constant 0 : i32
    %scan3A_6 = arith.constant 40 : i32
    %scan3A_7 = arith.addi %scan3A_5, %scan3A_6 : i32
    %scan3A_8 = arith.constant 1 : i32
    scf.for %scan3A_11 = %scan3A_5 to %scan3A_7 step %scan3A_8  : i32 {
      %mul3A_12 = arith.constant 256 : i32
      %mul3A_13 = arith.muli %scan3A_11, %mul3A_12 : i32
      %add3A_14 = arith.addi %add3A, %mul3A_13 : i32
      "tpu.region"() ({
        %run_scoped3A = tpu.sem_alloc : memref<!tpu.dma_semaphore, #tpu.memory_space<semaphore_mem>>
        %dma_start3A = tpu.memref_slice %arg2[%add3A_14] : memref<327680xi32, #tpu.memory_space<hbm>> -> memref<256xi32, #tpu.memory_space<hbm>>
        %dma_start3A_15 = tpu.memref_slice %arg2[%add3A_14] : memref<327680xi32, #tpu.memory_space<hbm>> -> memref<256xi32, #tpu.memory_space<hbm>>
        tpu.enqueue_dma source(%dma_start3A_15 : memref<256xi32, #tpu.memory_space<hbm>>) target(%arg6 : memref<256xi32, #tpu.memory_space<vmem>>) target_semaphore(%run_scoped3A : memref<!tpu.dma_semaphore, #tpu.memory_space<semaphore_mem>>)
        %dma_wait3A = tpu.memref_slice %arg2[%add3A_14] : memref<327680xi32, #tpu.memory_space<hbm>> -> memref<256xi32, #tpu.memory_space<hbm>>
        %dma_wait3A_16 = tpu.memref_slice %arg2[%add3A_14] : memref<327680xi32, #tpu.memory_space<hbm>> -> memref<256xi32, #tpu.memory_space<hbm>>
        tpu.wait_dma2 semaphore(%run_scoped3A : memref<!tpu.dma_semaphore, #tpu.memory_space<semaphore_mem>>) src(%dma_wait3A_16 : memref<256xi32, #tpu.memory_space<hbm>>) dst(%arg6 : memref<256xi32, #tpu.memory_space<vmem>>)
        tpu.yield
      }) : () -> ()
      "tpu.region"() ({
        %run_scoped3A = tpu.sem_alloc : memref<!tpu.dma_semaphore, #tpu.memory_space<semaphore_mem>>
        %dma_start3A = arith.constant 0 : i32
        %dma_start3A_15 = arith.constant 0 : i32
        %dma_start3A_16 = tpu.memref_slice %arg8[%dma_start3A, %dma_start3A_15] : memref<10112x128xf32, #tpu.memory_space<vmem_shared>> -> memref<10112x128xf32, #tpu.memory_space<vmem_shared>>
        tpu.enqueue_indirect_dma source(%arg7 : memref<256x128xf32, #tpu.memory_space<vmem>>) target(%dma_start3A_16 : memref<10112x128xf32, #tpu.memory_space<vmem_shared>>) offsets(%arg6 : memref<256xi32, #tpu.memory_space<vmem>>) semaphore(%run_scoped3A : memref<!tpu.dma_semaphore, #tpu.memory_space<semaphore_mem>>) {add = true}
        %dma_wait3A = arith.constant 0 : i32
        %dma_wait3A_17 = arith.constant 0 : i32
        %dma_wait3A_18 = tpu.memref_slice %arg8[%dma_wait3A, %dma_wait3A_17] : memref<10112x128xf32, #tpu.memory_space<vmem_shared>> -> memref<10112x128xf32, #tpu.memory_space<vmem_shared>>
        tpu.wait_indirect_dma semaphore(%run_scoped3A : memref<!tpu.dma_semaphore, #tpu.memory_space<semaphore_mem>>) src(%arg7 : memref<256x128xf32, #tpu.memory_space<vmem>>) dst(%dma_wait3A_18 : memref<10112x128xf32, #tpu.memory_space<vmem_shared>>)
        tpu.yield
      }) : () -> ()
    }
    %scan3A_9 = arith.constant 40 : i32
    %barrier3A_10 = arith.constant 0 : index
    tpu.barrier barrier_id(%barrier3A_10)
    "tpu.region"() ({
      %run_scoped3A = tpu.sem_alloc : memref<!tpu.dma_semaphore, #tpu.memory_space<semaphore_mem>>
      %dma_start3A = arith.constant 0 : i32
      %dma_start3A_11 = tpu.memref_slice %arg5[%arg0, %multiple_of3A, %dma_start3A] : memref<2x10112x128xf32, #tpu.memory_space<hbm>> -> memref<1x632x128xf32, #tpu.memory_space<hbm>>
      %dma_start3A_12 = tpu.memref_squeeze %dma_start3A_11 : memref<1x632x128xf32, #tpu.memory_space<hbm>> -> memref<632x128xf32, #tpu.memory_space<hbm>>
      %dma_start3A_13 = arith.constant 0 : i32
      %dma_start3A_14 = tpu.memref_slice %arg8[%multiple_of3A, %dma_start3A_13] : memref<10112x128xf32, #tpu.memory_space<vmem_shared>> -> memref<632x128xf32, #tpu.memory_space<vmem_shared>>
      tpu.enqueue_dma source(%dma_start3A_14 : memref<632x128xf32, #tpu.memory_space<vmem_shared>>) target(%dma_start3A_12 : memref<632x128xf32, #tpu.memory_space<hbm>>) target_semaphore(%run_scoped3A : memref<!tpu.dma_semaphore, #tpu.memory_space<semaphore_mem>>)
      %dma_wait3A = arith.constant 0 : i32
      %dma_wait3A_15 = tpu.memref_slice %arg5[%arg0, %multiple_of3A, %dma_wait3A] : memref<2x10112x128xf32, #tpu.memory_space<hbm>> -> memref<1x632x128xf32, #tpu.memory_space<hbm>>
      %dma_wait3A_16 = tpu.memref_squeeze %dma_wait3A_15 : memref<1x632x128xf32, #tpu.memory_space<hbm>> -> memref<632x128xf32, #tpu.memory_space<hbm>>
      %dma_wait3A_17 = arith.constant 0 : i32
      %dma_wait3A_18 = tpu.memref_slice %arg8[%multiple_of3A, %dma_wait3A_17] : memref<10112x128xf32, #tpu.memory_space<vmem_shared>> -> memref<632x128xf32, #tpu.memory_space<vmem_shared>>
      tpu.wait_dma2 semaphore(%run_scoped3A : memref<!tpu.dma_semaphore, #tpu.memory_space<semaphore_mem>>) src(%dma_wait3A_18 : memref<632x128xf32, #tpu.memory_space<vmem_shared>>) dst(%dma_wait3A_16 : memref<632x128xf32, #tpu.memory_space<hbm>>)
      tpu.yield
    }) : () -> ()
    return
  }
}

#map = affine_map<(d0, d1) -> (0, 0)>
#map1 = affine_map<(d0, d1) -> (0)>
#map2 = affine_map<(d0, d1) -> (0, 0, 0)>
module attributes {stable_mosaic.version = 14 : i64} {
  func.func @_sc_agg(%arg0: i32, %arg1: i32, %arg2: memref<2x327680xi32, #tpu.memory_space<hbm>>, %arg3: memref<327680xi32, #tpu.memory_space<hbm>>, %arg4: memref<20224x128xf32, #tpu.memory_space<hbm>>, %arg5: memref<632x128xf32, #tpu.memory_space<hbm>>, %arg6: memref<2x10112x128xf32, #tpu.memory_space<hbm>>, %arg7: memref<256xi32, #tpu.memory_space<vmem>>, %arg8: memref<256xi32, #tpu.memory_space<vmem>>, %arg9: memref<256x128xf32, #tpu.memory_space<vmem>>, %arg10: memref<10112x128xf32, #tpu.memory_space<vmem_shared>>, %arg11: memref<!tpu.dma_semaphore, #tpu.memory_space<semaphore_mem>>) attributes {dimension_semantics = [#tpu.dimension_semantics<core_parallel>, #tpu.dimension_semantics<subcore_parallel>], iteration_bounds = array<i64: 2, 16>, scalar_prefetch = 0 : i64, scratch_operands = 5 : i64, tpu.core_type = #tpu.core_type<sc_vector_subcore>, window_params = [{transform_indices = #map}, {transform_indices = #map1}, {transform_indices = #map}, {transform_indices = #map}, {transform_indices = #map2}]} {
    %mul3A = arith.constant 632 : i32
    %mul3A_0 = arith.muli %arg1, %mul3A : i32
    %multiple_of3A = tpu.assume_multiple %mul3A_0, 8 : i32
    "tpu.region"() ({
      %run_scoped3A = tpu.sem_alloc : memref<!tpu.dma_semaphore, #tpu.memory_space<semaphore_mem>>
      %dma_start3A = arith.constant 0 : i32
      %dma_start3A_9 = tpu.memref_slice %arg10[%multiple_of3A, %dma_start3A] : memref<10112x128xf32, #tpu.memory_space<vmem_shared>> -> memref<632x128xf32, #tpu.memory_space<vmem_shared>>
      tpu.enqueue_dma source(%arg5 : memref<632x128xf32, #tpu.memory_space<hbm>>) target(%dma_start3A_9 : memref<632x128xf32, #tpu.memory_space<vmem_shared>>) target_semaphore(%run_scoped3A : memref<!tpu.dma_semaphore, #tpu.memory_space<semaphore_mem>>)
      %dma_wait3A = arith.constant 0 : i32
      %dma_wait3A_10 = tpu.memref_slice %arg10[%multiple_of3A, %dma_wait3A] : memref<10112x128xf32, #tpu.memory_space<vmem_shared>> -> memref<632x128xf32, #tpu.memory_space<vmem_shared>>
      tpu.wait_dma2 semaphore(%run_scoped3A : memref<!tpu.dma_semaphore, #tpu.memory_space<semaphore_mem>>) src(%arg5 : memref<632x128xf32, #tpu.memory_space<hbm>>) dst(%dma_wait3A_10 : memref<632x128xf32, #tpu.memory_space<vmem_shared>>)
      tpu.yield
    }) : () -> ()
    %barrier3A = arith.constant 0 : index
    tpu.barrier barrier_id(%barrier3A)
    %mul3A_1 = arith.constant 20480 : i32
    %mul3A_2 = arith.muli %arg1, %mul3A_1 : i32
    %scan3A = arith.constant 0 : i32
    %scan3A_3 = arith.constant 0 : i32
    %scan3A_4 = arith.constant 80 : i32
    %scan3A_5 = arith.addi %scan3A_3, %scan3A_4 : i32
    %scan3A_6 = arith.constant 1 : i32
    scf.for %scan3A_9 = %scan3A_3 to %scan3A_5 step %scan3A_6  : i32 {
      %mul3A_10 = arith.constant 256 : i32
      %mul3A_11 = arith.muli %scan3A_9, %mul3A_10 : i32
      %add3A = arith.addi %mul3A_2, %mul3A_11 : i32
      "tpu.region"() ({
        %run_scoped3A = tpu.sem_alloc : memref<!tpu.dma_semaphore, #tpu.memory_space<semaphore_mem>>
        %dma_start3A_16 = tpu.memref_slice %arg2[%arg0, %add3A] : memref<2x327680xi32, #tpu.memory_space<hbm>> -> memref<1x256xi32, #tpu.memory_space<hbm>>
        %dma_start3A_17 = tpu.memref_squeeze %dma_start3A_16 : memref<1x256xi32, #tpu.memory_space<hbm>> -> memref<256xi32, #tpu.memory_space<hbm>>
        %dma_start3A_18 = tpu.memref_slice %arg2[%arg0, %add3A] : memref<2x327680xi32, #tpu.memory_space<hbm>> -> memref<1x256xi32, #tpu.memory_space<hbm>>
        %dma_start3A_19 = tpu.memref_squeeze %dma_start3A_18 : memref<1x256xi32, #tpu.memory_space<hbm>> -> memref<256xi32, #tpu.memory_space<hbm>>
        tpu.enqueue_dma source(%dma_start3A_19 : memref<256xi32, #tpu.memory_space<hbm>>) target(%arg7 : memref<256xi32, #tpu.memory_space<vmem>>) target_semaphore(%run_scoped3A : memref<!tpu.dma_semaphore, #tpu.memory_space<semaphore_mem>>)
        %dma_wait3A_20 = tpu.memref_slice %arg2[%arg0, %add3A] : memref<2x327680xi32, #tpu.memory_space<hbm>> -> memref<1x256xi32, #tpu.memory_space<hbm>>
        %dma_wait3A_21 = tpu.memref_squeeze %dma_wait3A_20 : memref<1x256xi32, #tpu.memory_space<hbm>> -> memref<256xi32, #tpu.memory_space<hbm>>
        %dma_wait3A_22 = tpu.memref_slice %arg2[%arg0, %add3A] : memref<2x327680xi32, #tpu.memory_space<hbm>> -> memref<1x256xi32, #tpu.memory_space<hbm>>
        %dma_wait3A_23 = tpu.memref_squeeze %dma_wait3A_22 : memref<1x256xi32, #tpu.memory_space<hbm>> -> memref<256xi32, #tpu.memory_space<hbm>>
        tpu.wait_dma2 semaphore(%run_scoped3A : memref<!tpu.dma_semaphore, #tpu.memory_space<semaphore_mem>>) src(%dma_wait3A_23 : memref<256xi32, #tpu.memory_space<hbm>>) dst(%arg7 : memref<256xi32, #tpu.memory_space<vmem>>)
        tpu.yield
      }) : () -> ()
      "tpu.region"() ({
        %run_scoped3A = tpu.sem_alloc : memref<!tpu.dma_semaphore, #tpu.memory_space<semaphore_mem>>
        %dma_start3A_16 = tpu.memref_slice %arg3[%add3A] : memref<327680xi32, #tpu.memory_space<hbm>> -> memref<256xi32, #tpu.memory_space<hbm>>
        %dma_start3A_17 = tpu.memref_slice %arg3[%add3A] : memref<327680xi32, #tpu.memory_space<hbm>> -> memref<256xi32, #tpu.memory_space<hbm>>
        tpu.enqueue_dma source(%dma_start3A_17 : memref<256xi32, #tpu.memory_space<hbm>>) target(%arg8 : memref<256xi32, #tpu.memory_space<vmem>>) target_semaphore(%run_scoped3A : memref<!tpu.dma_semaphore, #tpu.memory_space<semaphore_mem>>)
        %dma_wait3A_18 = tpu.memref_slice %arg3[%add3A] : memref<327680xi32, #tpu.memory_space<hbm>> -> memref<256xi32, #tpu.memory_space<hbm>>
        %dma_wait3A_19 = tpu.memref_slice %arg3[%add3A] : memref<327680xi32, #tpu.memory_space<hbm>> -> memref<256xi32, #tpu.memory_space<hbm>>
        tpu.wait_dma2 semaphore(%run_scoped3A : memref<!tpu.dma_semaphore, #tpu.memory_space<semaphore_mem>>) src(%dma_wait3A_19 : memref<256xi32, #tpu.memory_space<hbm>>) dst(%arg8 : memref<256xi32, #tpu.memory_space<vmem>>)
        tpu.yield
      }) : () -> ()
      %dma_start3A = arith.constant 0 : i32
      %dma_start3A_12 = arith.constant 0 : i32
      %dma_start3A_13 = tpu.memref_slice %arg4[%dma_start3A, %dma_start3A_12] : memref<20224x128xf32, #tpu.memory_space<hbm>> -> memref<20224x128xf32, #tpu.memory_space<hbm>>
      tpu.enqueue_indirect_dma source(%dma_start3A_13 : memref<20224x128xf32, #tpu.memory_space<hbm>>) target(%arg9 : memref<256x128xf32, #tpu.memory_space<vmem>>) offsets(%arg7 : memref<256xi32, #tpu.memory_space<vmem>>) semaphore(%arg11 : memref<!tpu.dma_semaphore, #tpu.memory_space<semaphore_mem>>)
      %dma_wait3A = arith.constant 0 : i32
      %dma_wait3A_14 = arith.constant 0 : i32
      %dma_wait3A_15 = tpu.memref_slice %arg4[%dma_wait3A, %dma_wait3A_14] : memref<20224x128xf32, #tpu.memory_space<hbm>> -> memref<20224x128xf32, #tpu.memory_space<hbm>>
      tpu.wait_indirect_dma semaphore(%arg11 : memref<!tpu.dma_semaphore, #tpu.memory_space<semaphore_mem>>) src(%dma_wait3A_15 : memref<20224x128xf32, #tpu.memory_space<hbm>>) dst(%arg9 : memref<256x128xf32, #tpu.memory_space<vmem>>)
      "tpu.region"() ({
        %run_scoped3A = tpu.sem_alloc : memref<!tpu.dma_semaphore, #tpu.memory_space<semaphore_mem>>
        %dma_start3A_16 = arith.constant 0 : i32
        %dma_start3A_17 = arith.constant 0 : i32
        %dma_start3A_18 = tpu.memref_slice %arg10[%dma_start3A_16, %dma_start3A_17] : memref<10112x128xf32, #tpu.memory_space<vmem_shared>> -> memref<10112x128xf32, #tpu.memory_space<vmem_shared>>
        tpu.enqueue_indirect_dma source(%arg9 : memref<256x128xf32, #tpu.memory_space<vmem>>) target(%dma_start3A_18 : memref<10112x128xf32, #tpu.memory_space<vmem_shared>>) offsets(%arg8 : memref<256xi32, #tpu.memory_space<vmem>>) semaphore(%run_scoped3A : memref<!tpu.dma_semaphore, #tpu.memory_space<semaphore_mem>>) {add = true}
        %dma_wait3A_19 = arith.constant 0 : i32
        %dma_wait3A_20 = arith.constant 0 : i32
        %dma_wait3A_21 = tpu.memref_slice %arg10[%dma_wait3A_19, %dma_wait3A_20] : memref<10112x128xf32, #tpu.memory_space<vmem_shared>> -> memref<10112x128xf32, #tpu.memory_space<vmem_shared>>
        tpu.wait_indirect_dma semaphore(%run_scoped3A : memref<!tpu.dma_semaphore, #tpu.memory_space<semaphore_mem>>) src(%arg9 : memref<256x128xf32, #tpu.memory_space<vmem>>) dst(%dma_wait3A_21 : memref<10112x128xf32, #tpu.memory_space<vmem_shared>>)
        tpu.yield
      }) : () -> ()
    }
    %scan3A_7 = arith.constant 80 : i32
    %barrier3A_8 = arith.constant 0 : index
    tpu.barrier barrier_id(%barrier3A_8)
    "tpu.region"() ({
      %run_scoped3A = tpu.sem_alloc : memref<!tpu.dma_semaphore, #tpu.memory_space<semaphore_mem>>
      %dma_start3A = arith.constant 0 : i32
      %dma_start3A_9 = tpu.memref_slice %arg6[%arg0, %multiple_of3A, %dma_start3A] : memref<2x10112x128xf32, #tpu.memory_space<hbm>> -> memref<1x632x128xf32, #tpu.memory_space<hbm>>
      %dma_start3A_10 = tpu.memref_squeeze %dma_start3A_9 : memref<1x632x128xf32, #tpu.memory_space<hbm>> -> memref<632x128xf32, #tpu.memory_space<hbm>>
      %dma_start3A_11 = arith.constant 0 : i32
      %dma_start3A_12 = tpu.memref_slice %arg10[%multiple_of3A, %dma_start3A_11] : memref<10112x128xf32, #tpu.memory_space<vmem_shared>> -> memref<632x128xf32, #tpu.memory_space<vmem_shared>>
      tpu.enqueue_dma source(%dma_start3A_12 : memref<632x128xf32, #tpu.memory_space<vmem_shared>>) target(%dma_start3A_10 : memref<632x128xf32, #tpu.memory_space<hbm>>) target_semaphore(%run_scoped3A : memref<!tpu.dma_semaphore, #tpu.memory_space<semaphore_mem>>)
      %dma_wait3A = arith.constant 0 : i32
      %dma_wait3A_13 = tpu.memref_slice %arg6[%arg0, %multiple_of3A, %dma_wait3A] : memref<2x10112x128xf32, #tpu.memory_space<hbm>> -> memref<1x632x128xf32, #tpu.memory_space<hbm>>
      %dma_wait3A_14 = tpu.memref_squeeze %dma_wait3A_13 : memref<1x632x128xf32, #tpu.memory_space<hbm>> -> memref<632x128xf32, #tpu.memory_space<hbm>>
      %dma_wait3A_15 = arith.constant 0 : i32
      %dma_wait3A_16 = tpu.memref_slice %arg10[%multiple_of3A, %dma_wait3A_15] : memref<10112x128xf32, #tpu.memory_space<vmem_shared>> -> memref<632x128xf32, #tpu.memory_space<vmem_shared>>
      tpu.wait_dma2 semaphore(%run_scoped3A : memref<!tpu.dma_semaphore, #tpu.memory_space<semaphore_mem>>) src(%dma_wait3A_16 : memref<632x128xf32, #tpu.memory_space<vmem_shared>>) dst(%dma_wait3A_14 : memref<632x128xf32, #tpu.memory_space<hbm>>)
      tpu.yield
    }) : () -> ()
    return
  }
}

module attributes {stable_mosaic.version = 14 : i64} {
  func.func @_tc_mm_body(%arg0: i32, %arg1: memref<2528x128xf32, #tpu.memory_space<vmem>>, %arg2: memref<128x128xf32, #tpu.memory_space<vmem>>, %arg3: memref<1x128xf32, #tpu.memory_space<vmem>>, %arg4: memref<2528x128xf32, #tpu.memory_space<vmem>>) attributes {dimension_semantics = [#tpu.dimension_semantics<arbitrary>], iteration_bounds = array<i64: 8>, scalar_prefetch = 0 : i64, scratch_operands = 0 : i64, tpu.core_type = #tpu.core_type<tc>, window_params = [{transform_indices = @transform_0, window_bounds = array<i64: 2528, 128>}, {pipeline_mode = #tpu.pipeline_mode<synchronous>, transform_indices = @transform_1, window_bounds = array<i64: 128, 128>}, {pipeline_mode = #tpu.pipeline_mode<synchronous>, transform_indices = @transform_2, window_bounds = array<i64: 1, 128>}, {transform_indices = @transform_3, window_bounds = array<i64: 2528, 128>}]} {
    %get3A = arith.constant 0 : index
    %get3A_0 = arith.constant 0 : index
    %get3A_1 = vector.load %arg1[%get3A, %get3A_0] : memref<2528x128xf32, #tpu.memory_space<vmem>>, vector<2528x128xf32>
    %get3A_2 = arith.constant 0 : index
    %get3A_3 = arith.constant 0 : index
    %get3A_4 = vector.load %arg2[%get3A_2, %get3A_3] : memref<128x128xf32, #tpu.memory_space<vmem>>, vector<128x128xf32>
    %convert_element_type3A = arith.truncf %get3A_1 : vector<2528x128xf32> to vector<2528x128xbf16>
    %convert_element_type3A_5 = arith.truncf %get3A_4 : vector<128x128xf32> to vector<128x128xbf16>
    %dot_general3A = arith.constant dense<0.000000e+00> : vector<2528x128xf32>
    %dot_general3A_6 = tpu.matmul %convert_element_type3A, %convert_element_type3A_5, %dot_general3A {dimension_numbers = #tpu.dot_dimension_numbers<[1], [0], [0], [1], [0, 0, 1, 1], [], []>, transpose_lhs_hint = false} : vector<2528x128xbf16>, vector<128x128xbf16>, vector<2528x128xf32> -> vector<2528x128xf32>
    %get3A_7 = arith.constant 0 : index
    %get3A_8 = arith.constant 0 : index
    %get3A_9 = vector.load %arg3[%get3A_7, %get3A_8] : memref<1x128xf32, #tpu.memory_space<vmem>>, vector<1x128xf32>
    %add3A = vector.broadcast %get3A_9 : vector<1x128xf32> to vector<2528x128xf32>
    %add3A_10 = arith.addf %dot_general3A_6, %add3A : vector<2528x128xf32>
    %swap3A = arith.constant 0 : index
    %swap3A_11 = arith.constant 0 : index
    %swap3A_12 = vector.load %arg4[%swap3A, %swap3A_11] : memref<2528x128xf32, #tpu.memory_space<vmem>>, vector<2528x128xf32>
    tpu.vector_store %arg4[%swap3A, %swap3A_11], %add3A_10 {strides = array<i32>} : memref<2528x128xf32, #tpu.memory_space<vmem>>, vector<2528x128xf32>,
    return
  }
  func.func @transform_0(%arg0: i32) -> (i32, i32) {
    %c0_i32 = arith.constant 0 : i32
    %c0_i32_0 = arith.constant 0 : i32
    return %arg0, %c0_i32 : i32, i32
  }
  func.func @transform_1(%arg0: i32) -> (i32, i32) {
    %c0_i32 = arith.constant 0 : i32
    %c0_i32_0 = arith.constant 0 : i32
    %c0_i32_1 = arith.constant 0 : i32
    return %c0_i32, %c0_i32_0 : i32, i32
  }
  func.func @transform_2(%arg0: i32) -> (i32, i32) {
    %c0_i32 = arith.constant 0 : i32
    %c0_i32_0 = arith.constant 0 : i32
    %c0_i32_1 = arith.constant 0 : i32
    return %c0_i32, %c0_i32_0 : i32, i32
  }
  func.func @transform_3(%arg0: i32) -> (i32, i32) {
    %c0_i32 = arith.constant 0 : i32
    %c0_i32_0 = arith.constant 0 : i32
    return %arg0, %c0_i32 : i32, i32
  }
}

module attributes {stable_mosaic.version = 14 : i64} {
  func.func @_tc_norm_mm_body(%arg0: i32, %arg1: memref<2528x128xf32, #tpu.memory_space<vmem>>, %arg2: memref<2x2528x128xf32, #tpu.memory_space<vmem>>, %arg3: memref<128x128xf32, #tpu.memory_space<vmem>>, %arg4: memref<1x128xf32, #tpu.memory_space<vmem>>, %arg5: memref<2528x128xf32, #tpu.memory_space<vmem>>) attributes {dimension_semantics = [#tpu.dimension_semantics<arbitrary>], iteration_bounds = array<i64: 8>, scalar_prefetch = 0 : i64, scratch_operands = 0 : i64, tpu.core_type = #tpu.core_type<tc>, window_params = [{transform_indices = @transform_0, window_bounds = array<i64: 2528, 128>}, {transform_indices = @transform_1, window_bounds = array<i64: 2, 2528, 128>}, {pipeline_mode = #tpu.pipeline_mode<synchronous>, transform_indices = @transform_2, window_bounds = array<i64: 128, 128>}, {pipeline_mode = #tpu.pipeline_mode<synchronous>, transform_indices = @transform_3, window_bounds = array<i64: 1, 128>}, {transform_indices = @transform_4, window_bounds = array<i64: 2528, 128>}]} {
    %get3A = arith.constant 0 : index
    %get3A_0 = arith.constant 0 : index
    %get3A_1 = arith.constant 0 : index
    %get3A_2 = vector.load %arg2[%get3A, %get3A_0, %get3A_1] : memref<2x2528x128xf32, #tpu.memory_space<vmem>>, vector<1x2528x128xf32>
    %get3A_3 = vector.shape_cast %get3A_2 : vector<1x2528x128xf32> to vector<2528x128xf32>
    %get3A_4 = arith.constant 1 : index
    %get3A_5 = arith.constant 0 : index
    %get3A_6 = arith.constant 0 : index
    %get3A_7 = vector.load %arg2[%get3A_4, %get3A_5, %get3A_6] : memref<2x2528x128xf32, #tpu.memory_space<vmem>>, vector<1x2528x128xf32>
    %get3A_8 = vector.shape_cast %get3A_7 : vector<1x2528x128xf32> to vector<2528x128xf32>
    %add3A = arith.addf %get3A_3, %get3A_8 : vector<2528x128xf32>
    %max3A = arith.constant 1.000000e+00 : f32
    %max3A_9 = vector.broadcast %max3A : f32 to vector<2528x128xf32>
    %max3A_10 = arith.maximumf %add3A, %max3A_9 : vector<2528x128xf32>
    %get3A_11 = arith.constant 0 : index
    %get3A_12 = arith.constant 0 : index
    %get3A_13 = vector.load %arg1[%get3A_11, %get3A_12] : memref<2528x128xf32, #tpu.memory_space<vmem>>, vector<2528x128xf32>
    %div3A = arith.divf %get3A_13, %max3A_10 : vector<2528x128xf32>
    %max3A_14 = arith.constant 0.000000e+00 : f32
    %max3A_15 = vector.broadcast %max3A_14 : f32 to vector<2528x128xf32>
    %max3A_16 = arith.maximumf %div3A, %max3A_15 : vector<2528x128xf32>
    %get3A_17 = arith.constant 0 : index
    %get3A_18 = arith.constant 0 : index
    %get3A_19 = vector.load %arg3[%get3A_17, %get3A_18] : memref<128x128xf32, #tpu.memory_space<vmem>>, vector<128x128xf32>
    %convert_element_type3A = arith.truncf %max3A_16 : vector<2528x128xf32> to vector<2528x128xbf16>
    %convert_element_type3A_20 = arith.truncf %get3A_19 : vector<128x128xf32> to vector<128x128xbf16>
    %dot_general3A = arith.constant dense<0.000000e+00> : vector<2528x128xf32>
    %dot_general3A_21 = tpu.matmul %convert_element_type3A, %convert_element_type3A_20, %dot_general3A {dimension_numbers = #tpu.dot_dimension_numbers<[1], [0], [0], [1], [0, 0, 1, 1], [], []>, transpose_lhs_hint = false} : vector<2528x128xbf16>, vector<128x128xbf16>, vector<2528x128xf32> -> vector<2528x128xf32>
    %get3A_22 = arith.constant 0 : index
    %get3A_23 = arith.constant 0 : index
    %get3A_24 = vector.load %arg4[%get3A_22, %get3A_23] : memref<1x128xf32, #tpu.memory_space<vmem>>, vector<1x128xf32>
    %add3A_25 = vector.broadcast %get3A_24 : vector<1x128xf32> to vector<2528x128xf32>
    %add3A_26 = arith.addf %dot_general3A_21, %add3A_25 : vector<2528x128xf32>
    %swap3A = arith.constant 0 : index
    %swap3A_27 = arith.constant 0 : index
    %swap3A_28 = vector.load %arg5[%swap3A, %swap3A_27] : memref<2528x128xf32, #tpu.memory_space<vmem>>, vector<2528x128xf32>
    tpu.vector_store %arg5[%swap3A, %swap3A_27], %add3A_26 {strides = array<i32>} : memref<2528x128xf32, #tpu.memory_space<vmem>>, vector<2528x128xf32>,
    return
  }
  func.func @transform_0(%arg0: i32) -> (i32, i32) {
    %c0_i32 = arith.constant 0 : i32
    %c0_i32_0 = arith.constant 0 : i32
    return %arg0, %c0_i32 : i32, i32
  }
  func.func @transform_1(%arg0: i32) -> (i32, i32, i32) {
    %jit3A = arith.constant 4 : i32
    %eq3A = arith.constant 0 : i32
    %eq3A_0 = arith.cmpi eq, %jit3A, %eq3A : i32
    %jit3A_1 = arith.constant 1 : i32
    %select_n3A = arith.select %eq3A_0, %jit3A_1, %jit3A : i32
    %rem3A = arith.remsi %arg0, %select_n3A : i32
    %ne3A = arith.constant 0 : i32
    %ne3A_2 = arith.cmpi ne, %rem3A, %ne3A : i32
    %lt3A = arith.constant 0 : i32
    %lt3A_3 = arith.cmpi slt, %rem3A, %lt3A : i32
    %lt3A_4 = arith.constant 0 : i32
    %lt3A_5 = arith.cmpi slt, %select_n3A, %lt3A_4 : i32
    %ne3A_6 = arith.xori %lt3A_3, %lt3A_5 : i1
    %and3A = arith.andi %ne3A_6, %ne3A_2 : i1
    %add3A = arith.addi %rem3A, %select_n3A : i32
    %select_n3A_7 = arith.select %and3A, %add3A, %rem3A : i32
    %c0_i32 = arith.constant 0 : i32
    %c0_i32_8 = arith.constant 0 : i32
    %c0_i32_9 = arith.constant 0 : i32
    return %c0_i32, %select_n3A_7, %c0_i32_8 : i32, i32, i32
  }
  func.func @transform_2(%arg0: i32) -> (i32, i32) {
    %c0_i32 = arith.constant 0 : i32
    %c0_i32_0 = arith.constant 0 : i32
    %c0_i32_1 = arith.constant 0 : i32
    return %c0_i32, %c0_i32_0 : i32, i32
  }
  func.func @transform_3(%arg0: i32) -> (i32, i32) {
    %c0_i32 = arith.constant 0 : i32
    %c0_i32_0 = arith.constant 0 : i32
    %c0_i32_1 = arith.constant 0 : i32
    return %c0_i32, %c0_i32_0 : i32, i32
  }
  func.func @transform_4(%arg0: i32) -> (i32, i32) {
    %c0_i32 = arith.constant 0 : i32
    %c0_i32_0 = arith.constant 0 : i32
    return %arg0, %c0_i32 : i32, i32
  }
}

module attributes {stable_mosaic.version = 14 : i64} {
  func.func @_tc_disc_body(%arg0: memref<20224x128xf32, #tpu.memory_space<vmem>>, %arg1: memref<2x10112x128xf32, #tpu.memory_space<vmem>>, %arg2: memref<128x128xf32, #tpu.memory_space<vmem>>, %arg3: memref<20224x1xf32, #tpu.memory_space<vmem>>) attributes {dimension_semantics = [], scalar_prefetch = 0 : i64, scratch_operands = 0 : i64, tpu.core_type = #tpu.core_type<tc>} {
    %get3A = arith.constant 0 : index
    %get3A_0 = arith.constant 0 : index
    %get3A_1 = vector.load %arg0[%get3A, %get3A_0] : memref<20224x128xf32, #tpu.memory_space<vmem>>, vector<20224x128xf32>
    %get3A_2 = arith.constant 0 : index
    %get3A_3 = arith.constant 0 : index
    %get3A_4 = arith.constant 0 : index
    %get3A_5 = vector.load %arg1[%get3A_2, %get3A_3, %get3A_4] : memref<2x10112x128xf32, #tpu.memory_space<vmem>>, vector<1x10112x128xf32>
    %get3A_6 = vector.shape_cast %get3A_5 : vector<1x10112x128xf32> to vector<10112x128xf32>
    %get3A_7 = arith.constant 1 : index
    %get3A_8 = arith.constant 0 : index
    %get3A_9 = arith.constant 0 : index
    %get3A_10 = vector.load %arg1[%get3A_7, %get3A_8, %get3A_9] : memref<2x10112x128xf32, #tpu.memory_space<vmem>>, vector<1x10112x128xf32>
    %get3A_11 = vector.shape_cast %get3A_10 : vector<1x10112x128xf32> to vector<10112x128xf32>
    %add3A = arith.addf %get3A_6, %get3A_11 : vector<10112x128xf32>
    %max3A = arith.constant 1.000000e+00 : f32
    %max3A_12 = vector.broadcast %max3A : f32 to vector<10112x128xf32>
    %max3A_13 = arith.maximumf %add3A, %max3A_12 : vector<10112x128xf32>
    %slice3A = vector.extract_strided_slice %get3A_1 {offsets = [0, 0], sizes = [10112, 128], strides = [1, 1]} : vector<20224x128xf32> to vector<10112x128xf32>
    %div3A = arith.divf %slice3A, %max3A_13 : vector<10112x128xf32>
    %max3A_14 = arith.constant 0.000000e+00 : f32
    %max3A_15 = vector.broadcast %max3A_14 : f32 to vector<10112x128xf32>
    %max3A_16 = arith.maximumf %div3A, %max3A_15 : vector<10112x128xf32>
    %slice3A_17 = vector.extract_strided_slice %get3A_1 {offsets = [10112, 0], sizes = [10112, 128], strides = [1, 1]} : vector<20224x128xf32> to vector<10112x128xf32>
    %div3A_18 = arith.divf %slice3A_17, %max3A_13 : vector<10112x128xf32>
    %max3A_19 = arith.constant 0.000000e+00 : f32
    %max3A_20 = vector.broadcast %max3A_19 : f32 to vector<10112x128xf32>
    %max3A_21 = arith.maximumf %div3A_18, %max3A_20 : vector<10112x128xf32>
    %slice3A_22 = vector.extract_strided_slice %max3A_16 {offsets = [0, 0], sizes = [10000, 128], strides = [1, 1]} : vector<10112x128xf32> to vector<10000x128xf32>
    %reduce_sum3A = arith.constant dense<0.000000e+00> : vector<128xf32>
    %reduce_sum3A_23 = vector.multi_reduction <add>, %slice3A_22, %reduce_sum3A [0] : vector<10000x128xf32> to vector<128xf32>
    %div3A_24 = arith.constant 1.000000e+04 : f32
    %div3A_25 = vector.broadcast %div3A_24 : f32 to vector<128xf32>
    %div3A_26 = arith.divf %reduce_sum3A_23, %div3A_25 : vector<128xf32>
    %get3A_27 = arith.constant 0 : index
    %get3A_28 = arith.constant 0 : index
    %get3A_29 = vector.load %arg2[%get3A_27, %get3A_28] : memref<128x128xf32, #tpu.memory_space<vmem>>, vector<128x128xf32>
    %broadcast_in_dim3A = vector.shape_cast %div3A_26 : vector<128xf32> to vector<128x1xf32>
    %convert_element_type3A = arith.truncf %get3A_29 : vector<128x128xf32> to vector<128x128xbf16>
    %convert_element_type3A_30 = arith.truncf %broadcast_in_dim3A : vector<128x1xf32> to vector<128x1xbf16>
    %dot_general3A = arith.constant dense<0.000000e+00> : vector<128x1xf32>
    %dot_general3A_31 = tpu.matmul %convert_element_type3A, %convert_element_type3A_30, %dot_general3A {dimension_numbers = #tpu.dot_dimension_numbers<[1], [0], [0], [1], [0, 0, 1, 1], [], []>, transpose_lhs_hint = false} : vector<128x128xbf16>, vector<128x1xbf16>, vector<128x1xf32> -> vector<128x1xf32>
    %squeeze3A = vector.shape_cast %dot_general3A_31 : vector<128x1xf32> to vector<128xf32>
    %broadcast_in_dim3A_32 = vector.shape_cast %squeeze3A : vector<128xf32> to vector<128x1xf32>
    %convert_element_type3A_33 = arith.truncf %max3A_16 : vector<10112x128xf32> to vector<10112x128xbf16>
    %convert_element_type3A_34 = arith.truncf %broadcast_in_dim3A_32 : vector<128x1xf32> to vector<128x1xbf16>
    %dot_general3A_35 = arith.constant dense<0.000000e+00> : vector<10112x1xf32>
    %dot_general3A_36 = tpu.matmul %convert_element_type3A_33, %convert_element_type3A_34, %dot_general3A_35 {dimension_numbers = #tpu.dot_dimension_numbers<[1], [0], [0], [1], [0, 0, 1, 1], [], []>, transpose_lhs_hint = false} : vector<10112x128xbf16>, vector<128x1xbf16>, vector<10112x1xf32> -> vector<10112x1xf32>
    %squeeze3A_37 = vector.shape_cast %dot_general3A_36 : vector<10112x1xf32> to vector<10112xf32>
    %broadcast_in_dim3A_38 = vector.shape_cast %squeeze3A : vector<128xf32> to vector<128x1xf32>
    %convert_element_type3A_39 = arith.truncf %max3A_21 : vector<10112x128xf32> to vector<10112x128xbf16>
    %convert_element_type3A_40 = arith.truncf %broadcast_in_dim3A_38 : vector<128x1xf32> to vector<128x1xbf16>
    %dot_general3A_41 = arith.constant dense<0.000000e+00> : vector<10112x1xf32>
    %dot_general3A_42 = tpu.matmul %convert_element_type3A_39, %convert_element_type3A_40, %dot_general3A_41 {dimension_numbers = #tpu.dot_dimension_numbers<[1], [0], [0], [1], [0, 0, 1, 1], [], []>, transpose_lhs_hint = false} : vector<10112x128xbf16>, vector<128x1xbf16>, vector<10112x1xf32> -> vector<10112x1xf32>
    %squeeze3A_43 = vector.shape_cast %dot_general3A_42 : vector<10112x1xf32> to vector<10112xf32>
    %concatenate3A = tpu.concatenate %squeeze3A_37, %squeeze3A_43 in 0 : vector<10112xf32>, vector<10112xf32> -> vector<20224xf32>
    %broadcast_in_dim3A_44 = vector.shape_cast %concatenate3A : vector<20224xf32> to vector<20224x1xf32>
    %swap3A = arith.constant 0 : index
    %swap3A_45 = arith.constant 0 : index
    %swap3A_46 = vector.load %arg3[%swap3A, %swap3A_45] : memref<20224x1xf32, #tpu.memory_space<vmem>>, vector<20224x1xf32>
    tpu.vector_store %arg3[%swap3A, %swap3A_45], %broadcast_in_dim3A_44 {strides = array<i32>} : memref<20224x1xf32, #tpu.memory_space<vmem>>, vector<20224x1xf32>,
    return
  }
}

</mosaic_0001>

<sc_bundles>
// kernel: kernel.11.cloned.1.call-start
scs
__scs_entry_jumppad:
0x0: {  	(pc) =	sbr.rel $0x88, $3  }
0x1: {  	(tag) =	ssettag $0x0;
	lr =	simm.s32 $0x1  }
0x2: {  	[smem:$0x3F99] =	sst lr;
	_ =	strace $0xD0000000  }
0x3: {  	_ = 	snop  }
0x4: {  	_ = 	snop  }
0x5: {  	_ = 	snop  }
0x6: {  	_ = 	snop  }
0x7: {  	_ = 	snop  }
__scs_overlays_trampoline_lowered:
0x8: {  	[smem:$0x3FA8] =	sst s0  }
0x9: {  	[smem:$0x3FA9] =	sst s1  }
0xa: {  	[smem:$0x3FAA] =	sst s2  }
0xb: {  	[smem:$0x3FAB] =	sst s3  }
0xc: {  	[smem:$0x3FAC] =	sst s4  }
0xd: {  	[smem:$0x3FAD] =	sst s5  }
0xe: {  	[smem:$0x3FAE] =	sst s6  }
0xf: {  	[smem:$0x3FAF] =	sst s7  }
0x10: {  	[smem:$0x3FB0] =	sst s8  }
0x11: {  	[smem:$0x3FB1] =	sst s9;
	s0 =	simm.s32 @!p0 $0x0  }
0x12: {  	s1 =	sld [smem:$0x3F97];
	s0 =	simm.s32 @p0 $0x1  }
0x13: {  	[smem:$0x3FB2] =	sst s0;
	s0 =	simm.s32 @!p1 $0x0  }
0x14: {  	s2 =	sld [smem:$0x3F96];
	s0 =	simm.s32 @p1 $0x1  }
0x15: {  	[smem:$0x3FB3] =	sst s0;
	s0 =	simm.s32 @!p2 $0x0  }
0x16: {  	s3 =	sld [smem:$0x3FDB];
	s0 =	simm.s32 @p2 $0x1  }
0x17: {  	s4 =	simm.s32 $0x1BF5;
	[smem:$0x3FB5] =	sst s0  }
0x18: {  	s0 =	sld [smem:$0x3F98];
	_ =	swait.ge [sflag:s4], $0x0  }
0x19: {  	s7 =	sld [smem:$0x3F99]  }
0x1a: {  	s8 =	sadd.s32 $0xFFFFE003, lr  }
0x1b: {  	s9 =	sadd.s32 $0xFFFFFEF7, lr;
	s5 =	simm.s32 $0xFFFFFFFF;
	p2 =	slt.u32 s8, $0xFFFFF086  }
0x1c: {  	p1 =	slt.u32 s9, $0xF7A;
	s5 =	simm.s32 @!p2 $0x0  }
0x1d: {  	s5 =	simm.s32 @p1 $0x1;
	p0 =	seq.s32 s7, s2  }
0x1e: {  	s7 =	smul.u32 @!p0 $0xF7A, s2;
	p2 =	seq.s32 @!p0 s5, $0x0  }
0x1f: {  	s9 =	smul.u32 $0xF7A, s1;
	s8 =	simm.s32 @!p0 $0x1BF5;
	p2 =	por !p2, p0  }
0x20: {  	[sflag:s8] =	ssyncset.s32 @!p0 $0xFFFFF086;
	s6 =	sadd.s32 @!p0 s3, s7;
	s7 =	simm.s32 @!p0 $0x108  }
0x21: {  	s3 =	sadd.s32 s3, s9;
	s6 =	sadd.s32 @!p0 $0x88, s6;
	s7 =	simm.s32 @p2 $0x1082  }
0x22: {  	[simem:s7], [sflag:s8] =	dma.local @!p0 [hbm:s6], $0xF7A  }
0x23: {  	s9 =	sor.u32 $0xD0000000, s2;
	s6 =	simm.s32 $0x108;
	_ =	swait.ge @!p0 [sflag:s8], $0x0  }
0x24: {  	s3 =	sadd.s32 $0x88, s3;
	s6 =	simm.s32 @!p1 $0x1082;
	[sflag:s4] =	ssyncset.s32 $0xFFFFF086  }
0x25: {  	[simem:s6], [sflag:s4] =	dma.local [hbm:s3], $0xF7A  }
0x26: {  	[smem:$0x3F99] =	sst s1;
	(tag) =	ssettag s2;
	_ =	strace s9  }
0x27: {  	s1 =	sld [smem:$0x3FA9]  }
0x28: {  	s2 =	sld [smem:$0x3FAA]  }
0x29: {  	s4 =	sld [smem:$0x3FAC]  }
0x2a: {  	p0 =	seq.s32 s5, $0x0;
	s5 =	sld [smem:$0x3FAD]  }
0x2b: {  	s6 =	sld [smem:$0x3FAE]  }
0x2c: {  	s7 =	sld [smem:$0x3FAF]  }
0x2d: {  	s3 =	simm.s32 $0x108;
	s8 =	sld [smem:$0x3FB0]  }
0x2e: {  	s3 =	simm.s32 @!p0 $0x1082;
	s9 =	sld [smem:$0x3FB1]  }
0x2f: {  	lr =	sadd.s32 s0, s3;
	s0 =	sld [smem:$0x3FA8]  }
0x30: {  	s3 =	sld [smem:$0x3FAB]  }
0x31: {  	[smem:$0x3FB4] =	sst s10  }
0x32: {  	s10 =	sld [smem:$0x3FB2];
	_ =	sdelay $0x3  }
0x33: {  	p0 =	seq.s32 s10, $0x1;
	s10 =	sld [smem:$0x3FB4];
	_ =	sdelay $0x3  }
0x34: {  	[smem:$0x3FB4] =	sst s10  }
0x35: {  	s10 =	sld [smem:$0x3FB3];
	_ =	sdelay $0x3  }
0x36: {  	p1 =	seq.s32 s10, $0x1;
	s10 =	sld [smem:$0x3FB4];
	_ =	sdelay $0x3  }
0x37: {  	[smem:$0x3FB4] =	sst s10  }
0x38: {  	s10 =	sld [smem:$0x3FB5]  }
0x39: {  	_ = 	snop;
	(pc) =	sbr.ind lr, $3  }
0x3a: {  	_ = 	snop  }
0x3b: {  	_ = 	snop  }
0x3c: {  	p2 =	seq.s32 s10, $0x1;
	s10 =	sld [smem:$0x3FB4]  }
0x3d: {  	_ =	shalt  }
0x3e: {  	_ =	shalt  }
0x3f: {  	_ =	shalt  }
0x40: {  	_ =	shalt  }
0x41: {  	_ =	shalt  }
0x42: {  	_ =	shalt  }
0x43: {  	_ =	shalt  }
0x44: {  	_ =	shalt  }
0x45: {  	_ =	shalt  }
0x46: {  	_ =	shalt  }
0x47: {  	_ =	shalt  }
0x48: {  	_ =	shalt  }
0x49: {  	_ =	shalt  }
0x4a: {  	_ =	shalt  }
0x4b: {  	_ =	shalt  }
0x4c: {  	_ =	shalt  }
0x4d: {  	_ =	shalt  }
0x4e: {  	_ =	shalt  }
0x4f: {  	_ =	shalt  }
0x50: {  	_ =	shalt  }
0x51: {  	_ =	shalt  }
0x52: {  	_ =	shalt  }
0x53: {  	_ =	shalt  }
0x54: {  	_ =	shalt  }
0x55: {  	_ =	shalt  }
0x56: {  	_ =	shalt  }
0x57: {  	_ =	shalt  }
0x58: {  	_ =	shalt  }
0x59: {  	_ =	shalt  }
0x5a: {  	_ =	shalt  }
0x5b: {  	_ =	shalt  }
0x5c: {  	_ =	shalt  }
0x5d: {  	_ =	shalt  }
0x5e: {  	_ =	shalt  }
0x5f: {  	_ =	shalt  }
0x60: {  	_ =	shalt  }
0x61: {  	_ =	shalt  }
0x62: {  	_ =	shalt  }
0x63: {  	_ =	shalt  }
0x64: {  	_ =	shalt  }
0x65: {  	_ =	shalt  }
0x66: {  	_ =	shalt  }
0x67: {  	_ =	shalt  }
0x68: {  	_ =	shalt  }
0x69: {  	_ =	shalt  }
0x6a: {  	_ =	shalt  }
0x6b: {  	_ =	shalt  }
0x6c: {  	_ =	shalt  }
0x6d: {  	_ =	shalt  }
0x6e: {  	_ =	shalt  }
0x6f: {  	_ =	shalt  }
0x70: {  	_ =	shalt  }
0x71: {  	_ =	shalt  }
0x72: {  	_ =	shalt  }
0x73: {  	_ =	shalt  }
0x74: {  	_ =	shalt  }
0x75: {  	_ =	shalt  }
0x76: {  	_ =	shalt  }
0x77: {  	_ =	shalt  }
0x78: {  	_ =	shalt  }
0x79: {  	_ =	shalt  }
0x7a: {  	_ =	shalt  }
0x7b: {  	_ =	shalt  }
0x7c: {  	_ =	shalt  }
0x7d: {  	_ =	shalt  }
0x7e: {  	_ =	shalt  }
0x7f: {  	_ =	shalt  }
0x80: {  	_ =	shalt  }
0x81: {  	_ =	shalt  }
0x82: {  	_ =	shalt  }
0x83: {  	_ =	shalt  }
0x84: {  	_ =	shalt  }
0x85: {  	_ =	shalt  }
0x86: {  	_ =	shalt  }
0x87: {  	_ =	shalt  }
.Lfunc_end0:
.L_simem_size_0:
called_computation.1_lowered:
.L_overlay_start_0:
0x88: {  	s2 =	sld [smem:$0x3FD9]  }
0x89: {  	s3 =	sld [smem:$0x3FFE];
	_ =	sdelay $0x1  }
0x8a: {  	s1 =	srdreg.scid  }
0x8b: {  	s0 =	sand.u32 $0x1, s1  }
0x8c: {  	s16 =	sshll.u32 s0, $0xA;
	s2 =	sadd.s32 s3, s2  }
0x8d: {  	s2 =	sadd.s32 s2, s16  }
0x8e: {  	[smem:$0x3FC0] =	sst s2  }
0x8f: {  	_ = 	snop  }
0x90: {  	(tm) =	ssettm $0x1  }
0x91: {  	s17 =	sld [smem:$0x3FFB];
	_ =	sdelay $0x3  }
0x92: {  	_ =	strace s17  }
0x93: {  	s2 =	sld [smem:$0x3FFC];
	_ =	sdelay $0x3  }
0x94: {  	_ =	strace s2  }
0x95: {  	s2 =	sld [smem:$0x3FFD];
	_ =	sdelay $0x3  }
0x96: {  	_ =	strace s2  }
0x97: {  	_ =	strace $0x8FFFFFFF  }
0x98: {  	s18 =	sld [smem:$0x3FDB];
	_ =	sdelay $0x1  }
0x99: {  	s19 =	simm.s32 $_scs_section_size  }
0x9a: {  	s4 =	simm.s32 $_size__tile_overlayer_lowered;
	s5 =	simm.s32 $_tile_overlayer_lowered  }
0x9b: {  	s22 =	simm.s32 $0x1BFF;
	s21 =	sshll.u32 s5, $0x1;
	s2 =	sadd.s32 s19, s18  }
0x9c: {  	s6 =	simm.s32 $0x0;
	s20 =	sshll.u32 s4, $0x1;
	s4 =	sadd.s32 s21, s2  }
0x9d: {  	[timem:s6], [sflag:s22] =	dma.local [hbm:s4], s20  }
0x9e: {  	_ =	swait.ge [sflag:s22], s20  }
0x9f: {  	s3 =	ssub.s32 $0x0, s20;
	[sflag:s22] =	ssyncset.done $0x0  }
0xa0: {  	[sflag:s22] =	ssyncadd.s32 s3;
	_ =	sdelay $0x1  }
0xa1: {  	s23 =	simm.s32 $0x1B8B  }
0xa2: {  	_ =	swait.ge [sflag:s23], $0x1  }
0xa3: {  	[sflag:s23] =	ssyncset.done $0x0  }
0xa4: {  	s25 =	simm.s32 $0x1B8E;
	s24 =	sld [smem:$0x3FFE];
	[sflag:s23] =	ssyncadd.s32 $0xFFFFFFFF  }
0xa5: {  	s26 =	simm.s32 $execute0_lowered;
	[smem:$0x3FD2] =	sst s25  }
0xa6: {  	s4 =	sshll.u32 s26, $0x1;
	_ =	strace $0x80000046;
	[dreg:$0x1] =	wrdreg $0xFFFFFFFF  }
0xa7: {  	s28 =	simm.s32 $_size_execute0_lowered;
	s2 =	sadd.s32 s2, s4;
	[dreg:$0x0] =	wrdreg $0x0  }
0xa8: {  	s4 =	sshll.u32 s28, $0x1;
	[dreg:$0x2] =	wrdreg s2  }
0xa9: {  	[dreg:$0x3] =	wrdreg s4  }
0xaa: {  	[dreg:$0x4] =	wrdreg $0xC0  }
0xab: {  	_ =	task [dreg:s6], $0x5FFFF  }
0xac: {  	[dreg:$0x1] =	wrdreg $0xFFFFFFFF  }
0xad: {  	[dreg:$0x0] =	wrdreg $0x60  }
0xae: {  	[dreg:$0x2] =	wrdreg s24  }
0xaf: {  	[dreg:$0x3] =	wrdreg $0x82000  }
0xb0: {  	[dreg:$0x4] =	wrdreg $0xA  }
0xb1: {  	_ =	task.clear_ibuf [dreg:s6], $0x5FFFF;
	_ =	strace $0x90000046  }
0xb2: {  	s29 =	simm.s32 $0xA;
	_ =	strace $0x80000048  }
0xb3: {  	_ =	swait.ge [sflag:s29], $0x1  }
0xb4: {  	[sflag:s29] =	ssyncadd.s32 $0xFFFFFFFF  }
0xb5: {  	_ =	strace $0x90000048  }
0xb6: {  	_ =	sfence  }
0xb7: {  	s30 =	sld [smem:$0x0];
	_ =	sdelay $0x2  }
0xb8: {  	s31 =	sshll.u32 s1, $0xD;
	s1 =	sshrl.u32 s1, $0x2  }
0xb9: {  	s3 =	sand.u32 $0x4000, s31;
	s1 =	sadd.s32 s1, s30  }
0xba: {  	s0 =	sor.u32 s3, s0;
	s1 =	sshll.u32 s1, $0x11  }
0xbb: {  	s0 =	sor.u32 s1, s0  }
0xbc: {  	s0 =	sadd.s32 $0x8F2B, s0  }
0xbd: {  	[sflag:s0] =	ssyncadd.remote.s32 $0x1  }
0xbe: {  	_ =	sfence.sel $0xFFFF  }
0xbf: {  	[dreg:$0x0] =	wrdreg $0xFFFFFFFF;
	(pc) =	sbr.abs _section_cstart, $3  }
0xc0: {  	[dreg:$0x1] =	wrdreg $0xFFFFFFFF  }
0xc1: {  	_ =	task.clear_ibuf [dreg:s6], $0x2FFFF;
	_ =	strace $0x9FFFFFFF  }
0xc2: {  	(tm) =	ssettm $0x7FFFFFFF  }
0xc3: {  	_ =	shalt  }
tec
execute0_lowered:
.L_overlay_start_1:
0x0: {  	(tag) =	ssettag $0x1  }
0x1: {  	s6 =	rddreg [dreg:$0x0]  }
0x2: {  	s1 =	srdreg.scid;
	s0 =	stileid.u32  }
0x3: {  	s2 =	rddreg [dreg:$0x1];
	s3 =	simm.s32 $0x0;
	s14 =	simm.s32 $0x100  }
0x4: {  	s15 =	simm.s32 $0x200;
	s16 =	simm.s32 $0x1;
	s4 =	smul.u32 $0xA000, s0  }
0x5: {  	s7 =	sand.u32 $0x1, s1;
	s1 =	rddreg [dreg:$0x2];
	s8 =	smul.u32 $0xA00, s0  }
0x6: {  	s17 =	simm.s32 $0x0;
	[smem:$0x7FF] =	sst s3;
	s9 =	smul.u32 $0x13C00, s0  }
0x7: {  	s29 =	smul.u32 $0x4F000, s0;
	s31 =	sshll.u32 s0, $0x6;
	s5 =	sshll.u32 s7, $0x7  }
0x8: {  	s26 =	smul.u32 $0x13C000, s7;
	_ =	strace $0x80000047;
	s7 =	ssub.s32 $0x2, s7  }
0x9: {  	s4 =	sor.u32 s5, s4;
	s11 =	sadd.s32 s8, s6;
	s5 =	sadd.s32 $0x6E600, s6  }
0xa: {  	s30 =	sshrl.u32 s7, $0x1;
	s4 =	sshrl.u32 s4, $0x3;
	s28 =	sadd.s32 s9, s26  }
0xb: {  	s9 =	sshrl.u32 s29, $0x2;
	s12 =	ssub.s32 s7, s30;
	s10 =	sadd.s32 s4, s6  }
0xc: {  	s4 =	sadd.s32 $0x1F600, s6;
	s8 =	sshrl.u32 s28, $0x3;
	s13 =	sadd.s32 s9, s2  }
0xd: {  	s9 =	sadd.s32 $0x1600, s11;
	s8 =	sadd.s32 s8, s6;
	s6 =	sor.u32 $0x1C02, s31  }
0xe: {  	s10 =	sadd.s32 $0xB600, s10;
	s11 =	sshrl.u32 s13, $0x3;
	s13 =	simm.s32 $0x80  }
0xf: {  	s7 =	sadd.s32 $0x70E00, s8;
	s8 =	smax.u32 s12, $0x1;
	s12 =	simm.s32 $0x2  }
.LBB2_1:
0x10: {  	[spmem:s11], [sflag:s6] =	dma.local [hbm:s5], $0x2780  }
0x11: {  	_ =	swait.ge [sflag:s12], $0x2780  }
0x12: {  	[sflag:s12] =	ssyncset.done $0x0  }
0x13: {  	[sflag:s12] =	ssyncadd.s32 $0xFFFFD880  }
0x14: {  	[bflag:$0x0] =	sbarrier.arrive $0xFFFF  }
0x15: {  	[tilespmem:s3], [sflag:$0x2] =	stream.strided.gather [hbm4b:s10+s13], $0x100, s14, s13, $0x38;
	[tilespmem:$0x1BE00] =	vst v63  }
0x16: {  	_ =	swait.ge [sflag:s12], $0x100  }
0x17: {  	[sflag:s12] =	ssyncset.done $0x0  }
0x18: {  	s18 =	sadd.s32 $0x0, s9;
	[sflag:s12] =	ssyncadd.s32 $0xFFFFFF00  }
0x19: {  	[tilespmem:s14], [sflag:$0x2] =	stream.linear.gather [hbm4b:s18+s3], $0x100, $0x38;
	[tilespmem:$0x1BE00] =	vst v63  }
0x1a: {  	_ =	swait.ge [sflag:s12], $0x100  }
0x1b: {  	[sflag:s12] =	ssyncset.done $0x0  }
0x1c: {  	[sflag:s12] =	ssyncadd.s32 $0xFFFFFF00  }
0x1d: {  	[tilespmem:s15], [sflag:$0x1] =	stream.indirect.gather [hbm4b:s4+s14], $0x80, s3, s14, $0xb8;
	[tilespmem:$0x1BE00] =	vst v63  }
0x1e: {  	_ =	swait.ge [sflag:s16], $0x8000  }
0x1f: {  	[sflag:s16] =	ssyncset.done $0x0  }
0x20: {  	[sflag:s16] =	ssyncadd.s32 $0xFFFF8000  }
0x21: {  	[spmem:s2] =	stream.indirect.scatter.add.f32 [tilespmem:s15], [sflag:$0x2], $0x80, s14, s14, $0xb8;
	[tilespmem:$0x1BE00] =	vst v63  }
0x22: {  	_ =	swait.ge [sflag:s12], $0x8000  }
0x23: {  	s19 =	smov.u32 s10;
	s18 =	simm.s32 $0x20;
	[sflag:s12] =	ssyncset.done $0x0  }
.LBB2_2:
0x24: {  	p0 =	sne.s32 s18, $0x9E0;
	[sflag:s12] =	ssyncadd.s32 $0xFFFF8000;
	s19 =	sadd.s32 $0x40, s19  }
0x25: {  	[tilespmem:s3], [sflag:$0x2] =	stream.strided.gather [hbm4b:s19+s13], $0x100, s14, s13, $0x38;
	[tilespmem:$0x1BE00] =	vst v63  }
0x26: {  	s20 =	smov.u32 s18;
	s18 =	sadd.s32 $0x20, s18;
	_ =	swait.ge [sflag:s12], $0x100  }
0x27: {  	[sflag:s12] =	ssyncset.done $0x0  }
0x28: {  	s20 =	sadd.s32 s20, s9;
	[sflag:s12] =	ssyncadd.s32 $0xFFFFFF00  }
0x29: {  	[tilespmem:s14], [sflag:$0x2] =	stream.linear.gather [hbm4b:s20+s3], $0x100, $0x38;
	[tilespmem:$0x1BE00] =	vst v63  }
0x2a: {  	_ =	swait.ge [sflag:s12], $0x100  }
0x2b: {  	[sflag:s12] =	ssyncset.done $0x0  }
0x2c: {  	[sflag:s12] =	ssyncadd.s32 $0xFFFFFF00  }
0x2d: {  	[tilespmem:s15], [sflag:$0x1] =	stream.indirect.gather [hbm4b:s4+s14], $0x80, s3, s14, $0xb8;
	[tilespmem:$0x1BE00] =	vst v63  }
0x2e: {  	_ =	swait.ge [sflag:s16], $0x8000  }
.Ltmp0:
0x2f: {  	[sflag:s16] =	ssyncset.done $0x0;
	(pc) =	sbr.rel @p0 .LBB2_2-.Ltmp0, $4  }
0x30: {  	[sflag:s16] =	ssyncadd.s32 $0xFFFF8000  }
0x31: {  	[spmem:s2] =	stream.indirect.scatter.add.f32 [tilespmem:s15], [sflag:$0x2], $0x80, s14, s14, $0xb8;
	[tilespmem:$0x1BE00] =	vst v63  }
0x32: {  	_ =	swait.ge [sflag:s12], $0x8000  }
0x33: {  	[sflag:s12] =	ssyncset.done $0x0  }
0x34: {  	s17 =	sadd.s32 $0x1, s17  }
0x35: {  	[sflag:s12] =	ssyncadd.s32 $0xFFFF8000;
	p0 =	sne.s32 s17, s8  }
.Ltmp1:
0x36: {  	[bflag:$0x0] =	sbarrier.arrive $0xFFFF;
	(pc) =	sbr.rel @p0 .LBB2_1-.Ltmp1, $4  }
0x37: {  	[hbm:s7], [sflag:s6] =	dma.local [spmem:s11], $0x2780  }
0x38: {  	_ =	swait.ge [sflag:s12], $0x2780  }
0x39: {  	[sflag:s12] =	ssyncset.done $0x0  }
0x3a: {  	[sflag:s12] =	ssyncadd.s32 $0xFFFFD880  }
0x3b: {  	_ =	sfence.sel $0x180000  }
0x3c: {  	[bflag:$0x0] =	sbarrier.arrive $0xFFFF  }
0x3d: {  	p0 =	sne.s32 s0, $0x0;
	_ =	strace $0x90000047  }
0x3e: {  	s0 =	sadd.s32 @!p0 $0x100000, s1;
	[bflag:$0x2] =	sbarrier.arrive $0xFFFF  }
0x3f: {  	[sflag:s0] =	ssyncadd.tile.s32 @!p0 $0x1;
	_ =	shalt  }
.Lfunc_end2:
_tile_overlayer_lowered:
.L_overlay_start_2:
0x40: {  	(tag) =	ssettag $0x2  }
0x41: {  	s0 =	rddreg [dreg:$0x0];
	s2 =	stileid.u32  }
0x42: {  	s1 =	rddreg [dreg:$0x1];
	p0 =	sne.s32 s2, $0x0  }
0x43: {  	s3 =	rddreg [dreg:$0x2];
	[bflag:$0x3] =	sbarrier.arrive $0xFFFF;
	s2 =	simm.s32 @!p0 $0x1C02  }
0x44: {  	[timem:s3], [sflag:s2] =	dma.local @!p0 [hbm:s0], s1  }
0x45: {  	s0 =	simm.s32 @!p0 $0x2  }
0x46: {  	_ =	swait.ge @!p0 [sflag:s0], s1  }
0x47: {  	s1 =	ssub.s32 @!p0 $0x0, s1;
	[sflag:s0] =	ssyncset.done @!p0 $0x0  }
0x48: {  	[sflag:s0] =	ssyncadd.s32 @!p0 s1  }
0x49: {  	[bflag:$0x3] =	sbarrier.arrive $0xFFFF  }
0x4a: {  	_ =	shalt  }

// kernel: kernel.14.cloned.1.call-start
scs
__scs_entry_jumppad:
0x0: {  	(pc) =	sbr.rel $0x88, $3  }
0x1: {  	(tag) =	ssettag $0x0;
	lr =	simm.s32 $0x1  }
0x2: {  	[smem:$0x3F99] =	sst lr;
	_ =	strace $0xD0000000  }
0x3: {  	_ = 	snop  }
0x4: {  	_ = 	snop  }
0x5: {  	_ = 	snop  }
0x6: {  	_ = 	snop  }
0x7: {  	_ = 	snop  }
__scs_overlays_trampoline_lowered:
0x8: {  	[smem:$0x3FA8] =	sst s0  }
0x9: {  	[smem:$0x3FA9] =	sst s1  }
0xa: {  	[smem:$0x3FAA] =	sst s2  }
0xb: {  	[smem:$0x3FAB] =	sst s3  }
0xc: {  	[smem:$0x3FAC] =	sst s4  }
0xd: {  	[smem:$0x3FAD] =	sst s5  }
0xe: {  	[smem:$0x3FAE] =	sst s6  }
0xf: {  	[smem:$0x3FAF] =	sst s7  }
0x10: {  	[smem:$0x3FB0] =	sst s8  }
0x11: {  	[smem:$0x3FB1] =	sst s9;
	s0 =	simm.s32 @!p0 $0x0  }
0x12: {  	s1 =	sld [smem:$0x3F97];
	s0 =	simm.s32 @p0 $0x1  }
0x13: {  	[smem:$0x3FB2] =	sst s0;
	s0 =	simm.s32 @!p1 $0x0  }
0x14: {  	s2 =	sld [smem:$0x3F96];
	s0 =	simm.s32 @p1 $0x1  }
0x15: {  	[smem:$0x3FB3] =	sst s0;
	s0 =	simm.s32 @!p2 $0x0  }
0x16: {  	s3 =	sld [smem:$0x3FDB];
	s0 =	simm.s32 @p2 $0x1  }
0x17: {  	s4 =	simm.s32 $0x1BF5;
	[smem:$0x3FB5] =	sst s0  }
0x18: {  	s0 =	sld [smem:$0x3F98];
	_ =	swait.ge [sflag:s4], $0x0  }
0x19: {  	s7 =	sld [smem:$0x3F99]  }
0x1a: {  	s8 =	sadd.s32 $0xFFFFE003, lr  }
0x1b: {  	s9 =	sadd.s32 $0xFFFFFEF7, lr;
	s5 =	simm.s32 $0xFFFFFFFF;
	p2 =	slt.u32 s8, $0xFFFFF086  }
0x1c: {  	p1 =	slt.u32 s9, $0xF7A;
	s5 =	simm.s32 @!p2 $0x0  }
0x1d: {  	s5 =	simm.s32 @p1 $0x1;
	p0 =	seq.s32 s7, s2  }
0x1e: {  	s7 =	smul.u32 @!p0 $0xF7A, s2;
	p2 =	seq.s32 @!p0 s5, $0x0  }
0x1f: {  	s9 =	smul.u32 $0xF7A, s1;
	s8 =	simm.s32 @!p0 $0x1BF5;
	p2 =	por !p2, p0  }
0x20: {  	[sflag:s8] =	ssyncset.s32 @!p0 $0xFFFFF086;
	s6 =	sadd.s32 @!p0 s3, s7;
	s7 =	simm.s32 @!p0 $0x108  }
0x21: {  	s3 =	sadd.s32 s3, s9;
	s6 =	sadd.s32 @!p0 $0x88, s6;
	s7 =	simm.s32 @p2 $0x1082  }
0x22: {  	[simem:s7], [sflag:s8] =	dma.local @!p0 [hbm:s6], $0xF7A  }
0x23: {  	s9 =	sor.u32 $0xD0000000, s2;
	s6 =	simm.s32 $0x108;
	_ =	swait.ge @!p0 [sflag:s8], $0x0  }
0x24: {  	s3 =	sadd.s32 $0x88, s3;
	s6 =	simm.s32 @!p1 $0x1082;
	[sflag:s4] =	ssyncset.s32 $0xFFFFF086  }
0x25: {  	[simem:s6], [sflag:s4] =	dma.local [hbm:s3], $0xF7A  }
0x26: {  	[smem:$0x3F99] =	sst s1;
	(tag) =	ssettag s2;
	_ =	strace s9  }
0x27: {  	s1 =	sld [smem:$0x3FA9]  }
0x28: {  	s2 =	sld [smem:$0x3FAA]  }
0x29: {  	s4 =	sld [smem:$0x3FAC]  }
0x2a: {  	p0 =	seq.s32 s5, $0x0;
	s5 =	sld [smem:$0x3FAD]  }
0x2b: {  	s6 =	sld [smem:$0x3FAE]  }
0x2c: {  	s7 =	sld [smem:$0x3FAF]  }
0x2d: {  	s3 =	simm.s32 $0x108;
	s8 =	sld [smem:$0x3FB0]  }
0x2e: {  	s3 =	simm.s32 @!p0 $0x1082;
	s9 =	sld [smem:$0x3FB1]  }
0x2f: {  	lr =	sadd.s32 s0, s3;
	s0 =	sld [smem:$0x3FA8]  }
0x30: {  	s3 =	sld [smem:$0x3FAB]  }
0x31: {  	[smem:$0x3FB4] =	sst s10  }
0x32: {  	s10 =	sld [smem:$0x3FB2];
	_ =	sdelay $0x3  }
0x33: {  	p0 =	seq.s32 s10, $0x1;
	s10 =	sld [smem:$0x3FB4];
	_ =	sdelay $0x3  }
0x34: {  	[smem:$0x3FB4] =	sst s10  }
0x35: {  	s10 =	sld [smem:$0x3FB3];
	_ =	sdelay $0x3  }
0x36: {  	p1 =	seq.s32 s10, $0x1;
	s10 =	sld [smem:$0x3FB4];
	_ =	sdelay $0x3  }
0x37: {  	[smem:$0x3FB4] =	sst s10  }
0x38: {  	s10 =	sld [smem:$0x3FB5]  }
0x39: {  	_ = 	snop;
	(pc) =	sbr.ind lr, $3  }
0x3a: {  	_ = 	snop  }
0x3b: {  	_ = 	snop  }
0x3c: {  	p2 =	seq.s32 s10, $0x1;
	s10 =	sld [smem:$0x3FB4]  }
0x3d: {  	_ =	shalt  }
0x3e: {  	_ =	shalt  }
0x3f: {  	_ =	shalt  }
0x40: {  	_ =	shalt  }
0x41: {  	_ =	shalt  }
0x42: {  	_ =	shalt  }
0x43: {  	_ =	shalt  }
0x44: {  	_ =	shalt  }
0x45: {  	_ =	shalt  }
0x46: {  	_ =	shalt  }
0x47: {  	_ =	shalt  }
0x48: {  	_ =	shalt  }
0x49: {  	_ =	shalt  }
0x4a: {  	_ =	shalt  }
0x4b: {  	_ =	shalt  }
0x4c: {  	_ =	shalt  }
0x4d: {  	_ =	shalt  }
0x4e: {  	_ =	shalt  }
0x4f: {  	_ =	shalt  }
0x50: {  	_ =	shalt  }
0x51: {  	_ =	shalt  }
0x52: {  	_ =	shalt  }
0x53: {  	_ =	shalt  }
0x54: {  	_ =	shalt  }
0x55: {  	_ =	shalt  }
0x56: {  	_ =	shalt  }
0x57: {  	_ =	shalt  }
0x58: {  	_ =	shalt  }
0x59: {  	_ =	shalt  }
0x5a: {  	_ =	shalt  }
0x5b: {  	_ =	shalt  }
0x5c: {  	_ =	shalt  }
0x5d: {  	_ =	shalt  }
0x5e: {  	_ =	shalt  }
0x5f: {  	_ =	shalt  }
0x60: {  	_ =	shalt  }
0x61: {  	_ =	shalt  }
0x62: {  	_ =	shalt  }
0x63: {  	_ =	shalt  }
0x64: {  	_ =	shalt  }
0x65: {  	_ =	shalt  }
0x66: {  	_ =	shalt  }
0x67: {  	_ =	shalt  }
0x68: {  	_ =	shalt  }
0x69: {  	_ =	shalt  }
0x6a: {  	_ =	shalt  }
0x6b: {  	_ =	shalt  }
0x6c: {  	_ =	shalt  }
0x6d: {  	_ =	shalt  }
0x6e: {  	_ =	shalt  }
0x6f: {  	_ =	shalt  }
0x70: {  	_ =	shalt  }
0x71: {  	_ =	shalt  }
0x72: {  	_ =	shalt  }
0x73: {  	_ =	shalt  }
0x74: {  	_ =	shalt  }
0x75: {  	_ =	shalt  }
0x76: {  	_ =	shalt  }
0x77: {  	_ =	shalt  }
0x78: {  	_ =	shalt  }
0x79: {  	_ =	shalt  }
0x7a: {  	_ =	shalt  }
0x7b: {  	_ =	shalt  }
0x7c: {  	_ =	shalt  }
0x7d: {  	_ =	shalt  }
0x7e: {  	_ =	shalt  }
0x7f: {  	_ =	shalt  }
0x80: {  	_ =	shalt  }
0x81: {  	_ =	shalt  }
0x82: {  	_ =	shalt  }
0x83: {  	_ =	shalt  }
0x84: {  	_ =	shalt  }
0x85: {  	_ =	shalt  }
0x86: {  	_ =	shalt  }
0x87: {  	_ =	shalt  }
.Lfunc_end0:
.L_simem_size_0:
called_computation.2_lowered:
.L_overlay_start_0:
0x88: {  	s2 =	sld [smem:$0x3FD9]  }
0x89: {  	s3 =	sld [smem:$0x3FFE];
	_ =	sdelay $0x1  }
0x8a: {  	s1 =	srdreg.scid  }
0x8b: {  	s0 =	sand.u32 $0x1, s1  }
0x8c: {  	s16 =	sshll.u32 s0, $0xA;
	s2 =	sadd.s32 s3, s2  }
0x8d: {  	s2 =	sadd.s32 s2, s16  }
0x8e: {  	[smem:$0x3FC0] =	sst s2  }
0x8f: {  	_ = 	snop  }
0x90: {  	(tm) =	ssettm $0x1  }
0x91: {  	s17 =	sld [smem:$0x3FFB];
	_ =	sdelay $0x3  }
0x92: {  	_ =	strace s17  }
0x93: {  	s2 =	sld [smem:$0x3FFC];
	_ =	sdelay $0x3  }
0x94: {  	_ =	strace s2  }
0x95: {  	s2 =	sld [smem:$0x3FFD];
	_ =	sdelay $0x3  }
0x96: {  	_ =	strace s2  }
0x97: {  	_ =	strace $0x8FFFFFFF  }
0x98: {  	s18 =	sld [smem:$0x3FDB];
	_ =	sdelay $0x1  }
0x99: {  	s19 =	simm.s32 $_scs_section_size  }
0x9a: {  	s4 =	simm.s32 $_size__tile_overlayer_lowered;
	s5 =	simm.s32 $_tile_overlayer_lowered  }
0x9b: {  	s22 =	simm.s32 $0x1BFF;
	s21 =	sshll.u32 s5, $0x1;
	s2 =	sadd.s32 s19, s18  }
0x9c: {  	s6 =	simm.s32 $0x0;
	s20 =	sshll.u32 s4, $0x1;
	s4 =	sadd.s32 s21, s2  }
0x9d: {  	[timem:s6], [sflag:s22] =	dma.local [hbm:s4], s20  }
0x9e: {  	_ =	swait.ge [sflag:s22], s20  }
0x9f: {  	s3 =	ssub.s32 $0x0, s20;
	[sflag:s22] =	ssyncset.done $0x0  }
0xa0: {  	[sflag:s22] =	ssyncadd.s32 s3;
	_ =	sdelay $0x1  }
0xa1: {  	s23 =	simm.s32 $0x1B8B  }
0xa2: {  	_ =	swait.ge [sflag:s23], $0x1  }
0xa3: {  	[sflag:s23] =	ssyncset.done $0x0  }
0xa4: {  	s25 =	simm.s32 $0x1B8E;
	s24 =	sld [smem:$0x3FFE];
	[sflag:s23] =	ssyncadd.s32 $0xFFFFFFFF  }
0xa5: {  	s26 =	simm.s32 $execute0_lowered;
	[smem:$0x3FD2] =	sst s25  }
0xa6: {  	s4 =	sshll.u32 s26, $0x1;
	_ =	strace $0x8000004C;
	[dreg:$0x1] =	wrdreg $0xFFFFFFFF  }
0xa7: {  	s28 =	simm.s32 $_size_execute0_lowered;
	s2 =	sadd.s32 s2, s4;
	[dreg:$0x0] =	wrdreg $0x0  }
0xa8: {  	s4 =	sshll.u32 s28, $0x1;
	[dreg:$0x2] =	wrdreg s2  }
0xa9: {  	[dreg:$0x3] =	wrdreg s4  }
0xaa: {  	[dreg:$0x4] =	wrdreg $0xC0  }
0xab: {  	_ =	task [dreg:s6], $0x5FFFF  }
0xac: {  	[dreg:$0x1] =	wrdreg $0xFFFFFFFF  }
0xad: {  	[dreg:$0x0] =	wrdreg $0x60  }
0xae: {  	[dreg:$0x2] =	wrdreg s24  }
0xaf: {  	[dreg:$0x3] =	wrdreg $0x82000  }
0xb0: {  	[dreg:$0x4] =	wrdreg $0x9  }
0xb1: {  	_ =	task.clear_ibuf [dreg:s6], $0x5FFFF;
	_ =	strace $0x9000004C  }
0xb2: {  	s29 =	simm.s32 $0x9;
	_ =	strace $0x8000004E  }
0xb3: {  	_ =	swait.ge [sflag:s29], $0x1  }
0xb4: {  	[sflag:s29] =	ssyncadd.s32 $0xFFFFFFFF  }
0xb5: {  	_ =	strace $0x9000004E  }
0xb6: {  	_ =	sfence  }
0xb7: {  	s30 =	sld [smem:$0x0];
	_ =	sdelay $0x2  }
0xb8: {  	s31 =	sshll.u32 s1, $0xD;
	s1 =	sshrl.u32 s1, $0x2  }
0xb9: {  	s3 =	sand.u32 $0x4000, s31;
	s1 =	sadd.s32 s1, s30  }
0xba: {  	s0 =	sor.u32 s3, s0;
	s1 =	sshll.u32 s1, $0x11  }
0xbb: {  	s0 =	sor.u32 s1, s0  }
0xbc: {  	s0 =	sadd.s32 $0x8F2B, s0  }
0xbd: {  	[sflag:s0] =	ssyncadd.remote.s32 $0x1  }
0xbe: {  	_ =	sfence.sel $0xFFFF  }
0xbf: {  	[dreg:$0x0] =	wrdreg $0xFFFFFFFF;
	(pc) =	sbr.abs _section_cstart, $3  }
0xc0: {  	[dreg:$0x1] =	wrdreg $0xFFFFFFFF  }
0xc1: {  	_ =	task.clear_ibuf [dreg:s6], $0x2FFFF;
	_ =	strace $0x9FFFFFFF  }
0xc2: {  	(tm) =	ssettm $0x7FFFFFFF  }
0xc3: {  	_ =	shalt  }
tec
execute0_lowered:
.L_overlay_start_1:
0x0: {  	(tag) =	ssettag $0x1  }
0x1: {  	s6 =	rddreg [dreg:$0x0]  }
0x2: {  	s1 =	srdreg.scid;
	s0 =	stileid.u32  }
0x3: {  	s2 =	rddreg [dreg:$0x1];
	s3 =	simm.s32 $0x0;
	s14 =	simm.s32 $0x100  }
0x4: {  	s15 =	simm.s32 $0x200;
	s16 =	simm.s32 $0x1;
	s4 =	smul.u32 $0xA000, s0  }
0x5: {  	s7 =	sand.u32 $0x1, s1;
	s1 =	rddreg [dreg:$0x2];
	s8 =	smul.u32 $0xA00, s0  }
0x6: {  	s17 =	simm.s32 $0x0;
	[smem:$0x7FF] =	sst s3;
	s9 =	smul.u32 $0x13C00, s0  }
0x7: {  	s29 =	smul.u32 $0x4F000, s0;
	s31 =	sshll.u32 s0, $0x6;
	s5 =	sshll.u32 s7, $0x7  }
0x8: {  	s26 =	smul.u32 $0x13C000, s7;
	_ =	strace $0x8000004D;
	s7 =	ssub.s32 $0x2, s7  }
0x9: {  	s4 =	sor.u32 s5, s4;
	s11 =	sadd.s32 s8, s6;
	s5 =	sadd.s32 $0x6E600, s6  }
0xa: {  	s30 =	sshrl.u32 s7, $0x1;
	s4 =	sshrl.u32 s4, $0x3;
	s28 =	sadd.s32 s9, s26  }
0xb: {  	s9 =	sshrl.u32 s29, $0x2;
	s12 =	ssub.s32 s7, s30;
	s10 =	sadd.s32 s4, s6  }
0xc: {  	s4 =	sadd.s32 $0x1F600, s6;
	s8 =	sshrl.u32 s28, $0x3;
	s13 =	sadd.s32 s9, s2  }
0xd: {  	s9 =	sadd.s32 $0x1600, s11;
	s8 =	sadd.s32 s8, s6;
	s6 =	sor.u32 $0x1C02, s31  }
0xe: {  	s10 =	sadd.s32 $0xB600, s10;
	s11 =	sshrl.u32 s13, $0x3;
	s13 =	simm.s32 $0x80  }
0xf: {  	s7 =	sadd.s32 $0x70E00, s8;
	s8 =	smax.u32 s12, $0x1;
	s12 =	simm.s32 $0x2  }
.LBB2_1:
0x10: {  	[spmem:s11], [sflag:s6] =	dma.local [hbm:s5], $0x2780  }
0x11: {  	_ =	swait.ge [sflag:s12], $0x2780  }
0x12: {  	[sflag:s12] =	ssyncset.done $0x0  }
0x13: {  	[sflag:s12] =	ssyncadd.s32 $0xFFFFD880  }
0x14: {  	[bflag:$0x0] =	sbarrier.arrive $0xFFFF  }
0x15: {  	[tilespmem:s3], [sflag:$0x2] =	stream.strided.gather [hbm4b:s10+s13], $0x100, s14, s13, $0x38;
	[tilespmem:$0x1BE00] =	vst v63  }
0x16: {  	_ =	swait.ge [sflag:s12], $0x100  }
0x17: {  	[sflag:s12] =	ssyncset.done $0x0  }
0x18: {  	s18 =	sadd.s32 $0x0, s9;
	[sflag:s12] =	ssyncadd.s32 $0xFFFFFF00  }
0x19: {  	[tilespmem:s14], [sflag:$0x2] =	stream.linear.gather [hbm4b:s18+s3], $0x100, $0x38;
	[tilespmem:$0x1BE00] =	vst v63  }
0x1a: {  	_ =	swait.ge [sflag:s12], $0x100  }
0x1b: {  	[sflag:s12] =	ssyncset.done $0x0  }
0x1c: {  	[sflag:s12] =	ssyncadd.s32 $0xFFFFFF00  }
0x1d: {  	[tilespmem:s15], [sflag:$0x1] =	stream.indirect.gather [hbm4b:s4+s14], $0x80, s3, s14, $0xb8;
	[tilespmem:$0x1BE00] =	vst v63  }
0x1e: {  	_ =	swait.ge [sflag:s16], $0x8000  }
0x1f: {  	[sflag:s16] =	ssyncset.done $0x0  }
0x20: {  	[sflag:s16] =	ssyncadd.s32 $0xFFFF8000  }
0x21: {  	[spmem:s2] =	stream.indirect.scatter.add.f32 [tilespmem:s15], [sflag:$0x2], $0x80, s14, s14, $0xb8;
	[tilespmem:$0x1BE00] =	vst v63  }
0x22: {  	_ =	swait.ge [sflag:s12], $0x8000  }
0x23: {  	s19 =	smov.u32 s10;
	s18 =	simm.s32 $0x20;
	[sflag:s12] =	ssyncset.done $0x0  }
.LBB2_2:
0x24: {  	p0 =	sne.s32 s18, $0x9E0;
	[sflag:s12] =	ssyncadd.s32 $0xFFFF8000;
	s19 =	sadd.s32 $0x40, s19  }
0x25: {  	[tilespmem:s3], [sflag:$0x2] =	stream.strided.gather [hbm4b:s19+s13], $0x100, s14, s13, $0x38;
	[tilespmem:$0x1BE00] =	vst v63  }
0x26: {  	s20 =	smov.u32 s18;
	s18 =	sadd.s32 $0x20, s18;
	_ =	swait.ge [sflag:s12], $0x100  }
0x27: {  	[sflag:s12] =	ssyncset.done $0x0  }
0x28: {  	s20 =	sadd.s32 s20, s9;
	[sflag:s12] =	ssyncadd.s32 $0xFFFFFF00  }
0x29: {  	[tilespmem:s14], [sflag:$0x2] =	stream.linear.gather [hbm4b:s20+s3], $0x100, $0x38;
	[tilespmem:$0x1BE00] =	vst v63  }
0x2a: {  	_ =	swait.ge [sflag:s12], $0x100  }
0x2b: {  	[sflag:s12] =	ssyncset.done $0x0  }
0x2c: {  	[sflag:s12] =	ssyncadd.s32 $0xFFFFFF00  }
0x2d: {  	[tilespmem:s15], [sflag:$0x1] =	stream.indirect.gather [hbm4b:s4+s14], $0x80, s3, s14, $0xb8;
	[tilespmem:$0x1BE00] =	vst v63  }
0x2e: {  	_ =	swait.ge [sflag:s16], $0x8000  }
.Ltmp0:
0x2f: {  	[sflag:s16] =	ssyncset.done $0x0;
	(pc) =	sbr.rel @p0 .LBB2_2-.Ltmp0, $4  }
0x30: {  	[sflag:s16] =	ssyncadd.s32 $0xFFFF8000  }
0x31: {  	[spmem:s2] =	stream.indirect.scatter.add.f32 [tilespmem:s15], [sflag:$0x2], $0x80, s14, s14, $0xb8;
	[tilespmem:$0x1BE00] =	vst v63  }
0x32: {  	_ =	swait.ge [sflag:s12], $0x8000  }
0x33: {  	[sflag:s12] =	ssyncset.done $0x0  }
0x34: {  	s17 =	sadd.s32 $0x1, s17  }
0x35: {  	[sflag:s12] =	ssyncadd.s32 $0xFFFF8000;
	p0 =	sne.s32 s17, s8  }
.Ltmp1:
0x36: {  	[bflag:$0x0] =	sbarrier.arrive $0xFFFF;
	(pc) =	sbr.rel @p0 .LBB2_1-.Ltmp1, $4  }
0x37: {  	[hbm:s7], [sflag:s6] =	dma.local [spmem:s11], $0x2780  }
0x38: {  	_ =	swait.ge [sflag:s12], $0x2780  }
0x39: {  	[sflag:s12] =	ssyncset.done $0x0  }
0x3a: {  	[sflag:s12] =	ssyncadd.s32 $0xFFFFD880  }
0x3b: {  	_ =	sfence.sel $0x180000  }
0x3c: {  	[bflag:$0x0] =	sbarrier.arrive $0xFFFF  }
0x3d: {  	p0 =	sne.s32 s0, $0x0;
	_ =	strace $0x9000004D  }
0x3e: {  	s0 =	sadd.s32 @!p0 $0x100000, s1;
	[bflag:$0x2] =	sbarrier.arrive $0xFFFF  }
0x3f: {  	[sflag:s0] =	ssyncadd.tile.s32 @!p0 $0x1;
	_ =	shalt  }
.Lfunc_end2:
_tile_overlayer_lowered:
.L_overlay_start_2:
0x40: {  	(tag) =	ssettag $0x2  }
0x41: {  	s0 =	rddreg [dreg:$0x0];
	s2 =	stileid.u32  }
0x42: {  	s1 =	rddreg [dreg:$0x1];
	p0 =	sne.s32 s2, $0x0  }
0x43: {  	s3 =	rddreg [dreg:$0x2];
	[bflag:$0x3] =	sbarrier.arrive $0xFFFF;
	s2 =	simm.s32 @!p0 $0x1C02  }
0x44: {  	[timem:s3], [sflag:s2] =	dma.local @!p0 [hbm:s0], s1  }
0x45: {  	s0 =	simm.s32 @!p0 $0x2  }
0x46: {  	_ =	swait.ge @!p0 [sflag:s0], s1  }
0x47: {  	s1 =	ssub.s32 @!p0 $0x0, s1;
	[sflag:s0] =	ssyncset.done @!p0 $0x0  }
0x48: {  	[sflag:s0] =	ssyncadd.s32 @!p0 s1  }
0x49: {  	[bflag:$0x3] =	sbarrier.arrive $0xFFFF  }
0x4a: {  	_ =	shalt  }

// kernel: kernel.8.cloned.1.call-start
scs
__scs_entry_jumppad:
0x0: {  	(pc) =	sbr.rel $0x88, $3  }
0x1: {  	(tag) =	ssettag $0x0;
	lr =	simm.s32 $0x1  }
0x2: {  	[smem:$0x3F99] =	sst lr;
	_ =	strace $0xD0000000  }
0x3: {  	_ = 	snop  }
0x4: {  	_ = 	snop  }
0x5: {  	_ = 	snop  }
0x6: {  	_ = 	snop  }
0x7: {  	_ = 	snop  }
__scs_overlays_trampoline_lowered:
0x8: {  	[smem:$0x3FA8] =	sst s0  }
0x9: {  	[smem:$0x3FA9] =	sst s1  }
0xa: {  	[smem:$0x3FAA] =	sst s2  }
0xb: {  	[smem:$0x3FAB] =	sst s3  }
0xc: {  	[smem:$0x3FAC] =	sst s4  }
0xd: {  	[smem:$0x3FAD] =	sst s5  }
0xe: {  	[smem:$0x3FAE] =	sst s6  }
0xf: {  	[smem:$0x3FAF] =	sst s7  }
0x10: {  	[smem:$0x3FB0] =	sst s8  }
0x11: {  	[smem:$0x3FB1] =	sst s9;
	s0 =	simm.s32 @!p0 $0x0  }
0x12: {  	s1 =	sld [smem:$0x3F97];
	s0 =	simm.s32 @p0 $0x1  }
0x13: {  	[smem:$0x3FB2] =	sst s0;
	s0 =	simm.s32 @!p1 $0x0  }
0x14: {  	s2 =	sld [smem:$0x3F96];
	s0 =	simm.s32 @p1 $0x1  }
0x15: {  	[smem:$0x3FB3] =	sst s0;
	s0 =	simm.s32 @!p2 $0x0  }
0x16: {  	s3 =	sld [smem:$0x3FDB];
	s0 =	simm.s32 @p2 $0x1  }
0x17: {  	s4 =	simm.s32 $0x1BF5;
	[smem:$0x3FB5] =	sst s0  }
0x18: {  	s0 =	sld [smem:$0x3F98];
	_ =	swait.ge [sflag:s4], $0x0  }
0x19: {  	s7 =	sld [smem:$0x3F99]  }
0x1a: {  	s8 =	sadd.s32 $0xFFFFE003, lr  }
0x1b: {  	s9 =	sadd.s32 $0xFFFFFEF7, lr;
	s5 =	simm.s32 $0xFFFFFFFF;
	p2 =	slt.u32 s8, $0xFFFFF086  }
0x1c: {  	p1 =	slt.u32 s9, $0xF7A;
	s5 =	simm.s32 @!p2 $0x0  }
0x1d: {  	s5 =	simm.s32 @p1 $0x1;
	p0 =	seq.s32 s7, s2  }
0x1e: {  	s7 =	smul.u32 @!p0 $0xF7A, s2;
	p2 =	seq.s32 @!p0 s5, $0x0  }
0x1f: {  	s9 =	smul.u32 $0xF7A, s1;
	s8 =	simm.s32 @!p0 $0x1BF5;
	p2 =	por !p2, p0  }
0x20: {  	[sflag:s8] =	ssyncset.s32 @!p0 $0xFFFFF086;
	s6 =	sadd.s32 @!p0 s3, s7;
	s7 =	simm.s32 @!p0 $0x108  }
0x21: {  	s3 =	sadd.s32 s3, s9;
	s6 =	sadd.s32 @!p0 $0x88, s6;
	s7 =	simm.s32 @p2 $0x1082  }
0x22: {  	[simem:s7], [sflag:s8] =	dma.local @!p0 [hbm:s6], $0xF7A  }
0x23: {  	s9 =	sor.u32 $0xD0000000, s2;
	s6 =	simm.s32 $0x108;
	_ =	swait.ge @!p0 [sflag:s8], $0x0  }
0x24: {  	s3 =	sadd.s32 $0x88, s3;
	s6 =	simm.s32 @!p1 $0x1082;
	[sflag:s4] =	ssyncset.s32 $0xFFFFF086  }
0x25: {  	[simem:s6], [sflag:s4] =	dma.local [hbm:s3], $0xF7A  }
0x26: {  	[smem:$0x3F99] =	sst s1;
	(tag) =	ssettag s2;
	_ =	strace s9  }
0x27: {  	s1 =	sld [smem:$0x3FA9]  }
0x28: {  	s2 =	sld [smem:$0x3FAA]  }
0x29: {  	s4 =	sld [smem:$0x3FAC]  }
0x2a: {  	p0 =	seq.s32 s5, $0x0;
	s5 =	sld [smem:$0x3FAD]  }
0x2b: {  	s6 =	sld [smem:$0x3FAE]  }
0x2c: {  	s7 =	sld [smem:$0x3FAF]  }
0x2d: {  	s3 =	simm.s32 $0x108;
	s8 =	sld [smem:$0x3FB0]  }
0x2e: {  	s3 =	simm.s32 @!p0 $0x1082;
	s9 =	sld [smem:$0x3FB1]  }
0x2f: {  	lr =	sadd.s32 s0, s3;
	s0 =	sld [smem:$0x3FA8]  }
0x30: {  	s3 =	sld [smem:$0x3FAB]  }
0x31: {  	[smem:$0x3FB4] =	sst s10  }
0x32: {  	s10 =	sld [smem:$0x3FB2];
	_ =	sdelay $0x3  }
0x33: {  	p0 =	seq.s32 s10, $0x1;
	s10 =	sld [smem:$0x3FB4];
	_ =	sdelay $0x3  }
0x34: {  	[smem:$0x3FB4] =	sst s10  }
0x35: {  	s10 =	sld [smem:$0x3FB3];
	_ =	sdelay $0x3  }
0x36: {  	p1 =	seq.s32 s10, $0x1;
	s10 =	sld [smem:$0x3FB4];
	_ =	sdelay $0x3  }
0x37: {  	[smem:$0x3FB4] =	sst s10  }
0x38: {  	s10 =	sld [smem:$0x3FB5]  }
0x39: {  	_ = 	snop;
	(pc) =	sbr.ind lr, $3  }
0x3a: {  	_ = 	snop  }
0x3b: {  	_ = 	snop  }
0x3c: {  	p2 =	seq.s32 s10, $0x1;
	s10 =	sld [smem:$0x3FB4]  }
0x3d: {  	_ =	shalt  }
0x3e: {  	_ =	shalt  }
0x3f: {  	_ =	shalt  }
0x40: {  	_ =	shalt  }
0x41: {  	_ =	shalt  }
0x42: {  	_ =	shalt  }
0x43: {  	_ =	shalt  }
0x44: {  	_ =	shalt  }
0x45: {  	_ =	shalt  }
0x46: {  	_ =	shalt  }
0x47: {  	_ =	shalt  }
0x48: {  	_ =	shalt  }
0x49: {  	_ =	shalt  }
0x4a: {  	_ =	shalt  }
0x4b: {  	_ =	shalt  }
0x4c: {  	_ =	shalt  }
0x4d: {  	_ =	shalt  }
0x4e: {  	_ =	shalt  }
0x4f: {  	_ =	shalt  }
0x50: {  	_ =	shalt  }
0x51: {  	_ =	shalt  }
0x52: {  	_ =	shalt  }
0x53: {  	_ =	shalt  }
0x54: {  	_ =	shalt  }
0x55: {  	_ =	shalt  }
0x56: {  	_ =	shalt  }
0x57: {  	_ =	shalt  }
0x58: {  	_ =	shalt  }
0x59: {  	_ =	shalt  }
0x5a: {  	_ =	shalt  }
0x5b: {  	_ =	shalt  }
0x5c: {  	_ =	shalt  }
0x5d: {  	_ =	shalt  }
0x5e: {  	_ =	shalt  }
0x5f: {  	_ =	shalt  }
0x60: {  	_ =	shalt  }
0x61: {  	_ =	shalt  }
0x62: {  	_ =	shalt  }
0x63: {  	_ =	shalt  }
0x64: {  	_ =	shalt  }
0x65: {  	_ =	shalt  }
0x66: {  	_ =	shalt  }
0x67: {  	_ =	shalt  }
0x68: {  	_ =	shalt  }
0x69: {  	_ =	shalt  }
0x6a: {  	_ =	shalt  }
0x6b: {  	_ =	shalt  }
0x6c: {  	_ =	shalt  }
0x6d: {  	_ =	shalt  }
0x6e: {  	_ =	shalt  }
0x6f: {  	_ =	shalt  }
0x70: {  	_ =	shalt  }
0x71: {  	_ =	shalt  }
0x72: {  	_ =	shalt  }
0x73: {  	_ =	shalt  }
0x74: {  	_ =	shalt  }
0x75: {  	_ =	shalt  }
0x76: {  	_ =	shalt  }
0x77: {  	_ =	shalt  }
0x78: {  	_ =	shalt  }
0x79: {  	_ =	shalt  }
0x7a: {  	_ =	shalt  }
0x7b: {  	_ =	shalt  }
0x7c: {  	_ =	shalt  }
0x7d: {  	_ =	shalt  }
0x7e: {  	_ =	shalt  }
0x7f: {  	_ =	shalt  }
0x80: {  	_ =	shalt  }
0x81: {  	_ =	shalt  }
0x82: {  	_ =	shalt  }
0x83: {  	_ =	shalt  }
0x84: {  	_ =	shalt  }
0x85: {  	_ =	shalt  }
0x86: {  	_ =	shalt  }
0x87: {  	_ =	shalt  }
.Lfunc_end0:
.L_simem_size_0:
called_computation_lowered:
.L_overlay_start_0:
0x88: {  	s2 =	sld [smem:$0x3FD9]  }
0x89: {  	s3 =	sld [smem:$0x3FFE];
	_ =	sdelay $0x1  }
0x8a: {  	s1 =	srdreg.scid  }
0x8b: {  	s0 =	sand.u32 $0x1, s1  }
0x8c: {  	s17 =	sshll.u32 s0, $0xA;
	s2 =	sadd.s32 s3, s2  }
0x8d: {  	s2 =	sadd.s32 s2, s17  }
0x8e: {  	[smem:$0x3FC0] =	sst s2  }
0x8f: {  	_ = 	snop  }
0x90: {  	(tm) =	ssettm $0x1  }
0x91: {  	s18 =	sld [smem:$0x3FFB];
	_ =	sdelay $0x3  }
0x92: {  	_ =	strace s18  }
0x93: {  	s2 =	sld [smem:$0x3FFC];
	_ =	sdelay $0x3  }
0x94: {  	_ =	strace s2  }
0x95: {  	s2 =	sld [smem:$0x3FFD];
	_ =	sdelay $0x3  }
0x96: {  	_ =	strace s2  }
0x97: {  	_ =	strace $0x8FFFFFFF  }
0x98: {  	s19 =	sld [smem:$0x3FDB];
	_ =	sdelay $0x1  }
0x99: {  	s20 =	simm.s32 $_scs_section_size  }
0x9a: {  	s4 =	simm.s32 $_size__tile_overlayer_lowered;
	s5 =	simm.s32 $_tile_overlayer_lowered  }
0x9b: {  	s6 =	simm.s32 $0x1BFF;
	s21 =	sshll.u32 s5, $0x1;
	s3 =	sadd.s32 s20, s19  }
0x9c: {  	s22 =	simm.s32 $0x0;
	s4 =	sshll.u32 s4, $0x1;
	s5 =	sadd.s32 s21, s3  }
0x9d: {  	[timem:s22], [sflag:s6] =	dma.local [hbm:s5], s4  }
0x9e: {  	_ =	swait.ge [sflag:s6], s4  }
0x9f: {  	s4 =	ssub.s32 $0x0, s4;
	[sflag:s6] =	ssyncset.done $0x0  }
0xa0: {  	[sflag:s6] =	ssyncadd.s32 s4;
	_ =	sdelay $0x1  }
0xa1: {  	s23 =	simm.s32 $0x1B8B  }
0xa2: {  	_ =	swait.ge [sflag:s23], $0x1  }
0xa3: {  	[sflag:s23] =	ssyncset.done $0x0  }
0xa4: {  	[sflag:s23] =	ssyncadd.s32 $0xFFFFFFFF  }
0xa5: {  	s4 =	sld [smem:$0x0]  }
0xa6: {  	s5 =	sand.u32 $0xFFFFFFFE, s1  }
0xa7: {  	p0 =	sne.s32 s1, s5  }
0xa8: {  	s5 =	sshll.u32 @p0 s5, $0xE  }
0xa9: {  	s5 =	sadd.s32 @p0 $0x11B8D, s5;
	s6 =	sshll.u32 @p0 s4, $0x11  }
0xaa: {  	s5 =	sor.u32 @p0 s6, s5  }
0xab: {  	[sflag:s5] =	ssyncadd.remote.s32 @p0 $0x1;
	_ =	sdelay $0x1  }
0xac: {  	s5 =	simm.s32 @p0 $0x1B8D  }
0xad: {  	_ =	swait.eq @p0 [sflag:s5], $0x1  }
0xae: {  	[sflag:s5] =	ssyncadd.s32 @p0 $0xFFFFFFFF  }
0xaf: {  	s6 =	sshll.u32 @!p0 s1, $0xE  }
0xb0: {  	s6 =	sor.u32 @!p0 $0x4000, s6;
	s5 =	simm.s32 @!p0 $0x1B8D  }
0xb1: {  	s4 =	sshll.u32 @!p0 s4, $0x11;
	s6 =	sadd.s32 @!p0 $0x11B8D, s6;
	_ =	swait.eq @!p0 [sflag:s5], $0x1  }
0xb2: {  	s4 =	sor.u32 @!p0 s4, s6;
	[sflag:s5] =	ssyncadd.s32 @!p0 $0xFFFFFFFF  }
0xb3: {  	s25 =	simm.s32 $0x1B8E;
	s24 =	sld [smem:$0x3FFE];
	[sflag:s4] =	ssyncadd.remote.s32 @!p0 $0x1  }
0xb4: {  	s26 =	simm.s32 $execute0_lowered;
	[smem:$0x3FD2] =	sst s25  }
0xb5: {  	s5 =	sshll.u32 s26, $0x1;
	_ =	strace $0x80000049;
	[dreg:$0x1] =	wrdreg $0xFFFFFFFF  }
0xb6: {  	s28 =	simm.s32 $_size_execute0_lowered;
	s3 =	sadd.s32 s3, s5;
	[dreg:$0x0] =	wrdreg $0x0  }
0xb7: {  	s5 =	sshll.u32 s28, $0x1;
	[dreg:$0x2] =	wrdreg s3  }
0xb8: {  	[dreg:$0x3] =	wrdreg s5  }
0xb9: {  	[dreg:$0x4] =	wrdreg $0xC0  }
0xba: {  	_ =	task [dreg:s22], $0x5FFFF  }
0xbb: {  	[dreg:$0x1] =	wrdreg $0xFFFFFFFF  }
0xbc: {  	[dreg:$0x0] =	wrdreg $0x60  }
0xbd: {  	[dreg:$0x2] =	wrdreg s24  }
0xbe: {  	[dreg:$0x3] =	wrdreg $0x81000  }
0xbf: {  	[dreg:$0x4] =	wrdreg $0x9  }
0xc0: {  	_ =	task.clear_ibuf [dreg:s22], $0x5FFFF;
	_ =	strace $0x90000049  }
0xc1: {  	s29 =	simm.s32 $0x9;
	_ =	strace $0x8000004B  }
0xc2: {  	_ =	swait.ge [sflag:s29], $0x1  }
0xc3: {  	[sflag:s29] =	ssyncadd.s32 $0xFFFFFFFF  }
0xc4: {  	_ =	strace $0x9000004B  }
0xc5: {  	_ =	sfence  }
0xc6: {  	s30 =	sld [smem:$0x0];
	_ =	sdelay $0x2  }
0xc7: {  	s31 =	sshll.u32 s1, $0xD;
	s1 =	sshrl.u32 s1, $0x2  }
0xc8: {  	s4 =	sand.u32 $0x4000, s31;
	s1 =	sadd.s32 s1, s30  }
0xc9: {  	s0 =	sor.u32 s4, s0;
	s1 =	sshll.u32 s1, $0x11  }
0xca: {  	s0 =	sor.u32 s1, s0  }
0xcb: {  	s0 =	sadd.s32 $0x8F2B, s0  }
0xcc: {  	[sflag:s0] =	ssyncadd.remote.s32 $0x1  }
0xcd: {  	_ =	sfence.sel $0xFFFF  }
0xce: {  	[dreg:$0x0] =	wrdreg $0xFFFFFFFF;
	(pc) =	sbr.abs _section_cstart, $3  }
0xcf: {  	[dreg:$0x1] =	wrdreg $0xFFFFFFFF  }
0xd0: {  	_ =	task.clear_ibuf [dreg:s22], $0x2FFFF;
	_ =	strace $0x9FFFFFFF  }
0xd1: {  	(tm) =	ssettm $0x7FFFFFFF  }
tec
execute0_lowered:
.L_overlay_start_1:
0x0: {  	(tag) =	ssettag $0x1  }
0x1: {  	s0 =	srdreg.scid;
	s6 =	rddreg [dreg:$0x0]  }
0x2: {  	s2 =	rddreg [dreg:$0x1];
	s5 =	sand.u32 $0x1, s0  }
0x3: {  	s0 =	stileid.u32;
	s4 =	smul.u32 $0x28000, s5  }
0x4: {  	s1 =	rddreg [dreg:$0x2];
	s3 =	simm.s32 $0x0;
	s7 =	smul.u32 $0x2800, s0  }
0x5: {  	s12 =	simm.s32 $0x100;
	[smem:$0x7FF] =	sst s3;
	s8 =	smul.u32 $0x13C000, s5  }
0x6: {  	s13 =	simm.s32 $0x0;
	s26 =	smul.u32 $0x13C00, s0;
	_ =	strace $0x8000004A  }
0x7: {  	s28 =	ssub.s32 $0x2, s5;
	s10 =	smul.u32 $0x4F000, s0;
	s5 =	sadd.s32 $0x6E600, s6  }
0x8: {  	s31 =	sshll.u32 s0, $0x6;
	s29 =	sshrl.u32 s28, $0x1;
	s4 =	sadd.s32 s7, s4  }
0x9: {  	s7 =	sadd.s32 s26, s8;
	s8 =	ssub.s32 s28, s29;
	s30 =	sshrl.u32 s10, $0x2  }
0xa: {  	s4 =	sshrl.u32 s4, $0x3;
	s7 =	sshrl.u32 s7, $0x3;
	s11 =	sadd.s32 s30, s2  }
0xb: {  	s8 =	smax.u32 s8, $0x1;
	s9 =	sadd.s32 s4, s6;
	s4 =	sadd.s32 $0xBFE00, s6  }
0xc: {  	s7 =	sadd.s32 s7, s6;
	s6 =	sor.u32 $0x1C01, s31;
	s10 =	sshrl.u32 s11, $0x3  }
0xd: {  	s11 =	simm.s32 $0x1;
	s7 =	sadd.s32 $0xC0E00, s7;
	s9 =	sadd.s32 $0x1600, s9  }
.LBB2_1:
0xe: {  	[spmem:s10], [sflag:s6] =	dma.local [hbm:s5], $0x2780  }
0xf: {  	_ =	swait.ge [sflag:s11], $0x2780  }
0x10: {  	[sflag:s11] =	ssyncset.done $0x0  }
0x11: {  	[sflag:s11] =	ssyncadd.s32 $0xFFFFD880  }
0x12: {  	[tilespmem:s12], [sflag:$0x1] =	stream.linear.gather [hbm4b:s4+s3], $0x8000, $0x38;
	[tilespmem:$0x1BD00] =	vst v63  }
0x13: {  	_ =	swait.ge [sflag:s11], $0x8000  }
0x14: {  	[sflag:s11] =	ssyncset.done $0x0  }
0x15: {  	[sflag:s11] =	ssyncadd.s32 $0xFFFF8000  }
0x16: {  	s14 =	sadd.s32 $0x0, s9;
	[bflag:$0x0] =	sbarrier.arrive $0xFFFF  }
0x17: {  	[tilespmem:s3], [sflag:$0x1] =	stream.linear.gather [hbm4b:s14+s3], $0x100, $0x38;
	[tilespmem:$0x1BD00] =	vst v63  }
0x18: {  	_ =	swait.ge [sflag:s11], $0x100  }
0x19: {  	[sflag:s11] =	ssyncset.done $0x0  }
0x1a: {  	[sflag:s11] =	ssyncadd.s32 $0xFFFFFF00  }
0x1b: {  	[spmem:s2] =	stream.indirect.scatter.add.f32 [tilespmem:s12], [sflag:$0x1], $0x80, s3, s12, $0xb8;
	[tilespmem:$0x1BD00] =	vst v63  }
0x1c: {  	_ =	swait.ge [sflag:s11], $0x8000  }
0x1d: {  	s15 =	simm.s32 $0x40;
	s14 =	simm.s32 $0x20;
	[sflag:s11] =	ssyncset.done $0x0  }
.LBB2_2:
0x1e: {  	s16 =	sadd.s32 s14, s9  }
0x1f: {  	[sflag:s11] =	ssyncadd.s32 $0xFFFF8000;
	s14 =	smov.u32 s15;
	s17 =	sadd.s32 $0x20, s15  }
0x20: {  	[tilespmem:s3], [sflag:$0x1] =	stream.linear.gather [hbm4b:s16+s3], $0x100, $0x38;
	[tilespmem:$0x1BD00] =	vst v63  }
0x21: {  	p0 =	sne.s32 s15, $0x4E0;
	_ =	swait.ge [sflag:s11], $0x100  }
.Ltmp0:
0x22: {  	[sflag:s11] =	ssyncset.done $0x0;
	(pc) =	sbr.rel @p0 .LBB2_2-.Ltmp0, $4  }
0x23: {  	[sflag:s11] =	ssyncadd.s32 $0xFFFFFF00  }
0x24: {  	[spmem:s2] =	stream.indirect.scatter.add.f32 [tilespmem:s12], [sflag:$0x1], $0x80, s3, s12, $0xb8;
	[tilespmem:$0x1BD00] =	vst v63  }
0x25: {  	_ =	swait.ge [sflag:s11], $0x8000  }
0x26: {  	s15 =	smov.u32 s17;
	[sflag:s11] =	ssyncset.done $0x0  }
0x27: {  	s14 =	sadd.s32 s14, s9;
	[sflag:s11] =	ssyncadd.s32 $0xFFFF8000  }
0x28: {  	[tilespmem:s3], [sflag:$0x1] =	stream.linear.gather [hbm4b:s14+s3], $0x100, $0x38;
	[tilespmem:$0x1BD00] =	vst v63  }
0x29: {  	_ =	swait.ge [sflag:s11], $0x100  }
0x2a: {  	[sflag:s11] =	ssyncset.done $0x0  }
0x2b: {  	[sflag:s11] =	ssyncadd.s32 $0xFFFFFF00  }
0x2c: {  	[spmem:s2] =	stream.indirect.scatter.add.f32 [tilespmem:s12], [sflag:$0x1], $0x80, s3, s12, $0xb8;
	[tilespmem:$0x1BD00] =	vst v63  }
0x2d: {  	_ =	swait.ge [sflag:s11], $0x8000  }
0x2e: {  	s13 =	sadd.s32 $0x1, s13;
	[sflag:s11] =	ssyncset.done $0x0  }
0x2f: {  	p0 =	sne.s32 s13, s8;
	[sflag:s11] =	ssyncadd.s32 $0xFFFF8000  }
.Ltmp1:
0x30: {  	[bflag:$0x0] =	sbarrier.arrive $0xFFFF;
	(pc) =	sbr.rel @p0 .LBB2_1-.Ltmp1, $4  }
0x31: {  	[hbm:s7], [sflag:s6] =	dma.local [spmem:s10], $0x2780  }
0x32: {  	_ =	swait.ge [sflag:s11], $0x2780  }
0x33: {  	[sflag:s11] =	ssyncset.done $0x0  }
0x34: {  	[sflag:s11] =	ssyncadd.s32 $0xFFFFD880  }
0x35: {  	_ =	sfence.sel $0x180000  }
0x36: {  	[bflag:$0x0] =	sbarrier.arrive $0xFFFF  }
0x37: {  	p0 =	sne.s32 s0, $0x0;
	_ =	strace $0x9000004A  }
0x38: {  	s0 =	sadd.s32 @!p0 $0x100000, s1;
	[bflag:$0x2] =	sbarrier.arrive $0xFFFF  }
0x39: {  	[sflag:s0] =	ssyncadd.tile.s32 @!p0 $0x1;
	_ =	shalt  }
.Lfunc_end2:
_tile_overlayer_lowered:
.L_overlay_start_2:
0x3a: {  	(tag) =	ssettag $0x2  }
0x3b: {  	s0 =	rddreg [dreg:$0x0];
	s2 =	stileid.u32  }
0x3c: {  	s1 =	rddreg [dreg:$0x1];
	p0 =	sne.s32 s2, $0x0  }
0x3d: {  	s3 =	rddreg [dreg:$0x2];
	[bflag:$0x3] =	sbarrier.arrive $0xFFFF;
	s2 =	simm.s32 @!p0 $0x1C01  }
0x3e: {  	[timem:s3], [sflag:s2] =	dma.local @!p0 [hbm:s0], s1  }
0x3f: {  	s0 =	simm.s32 @!p0 $0x1  }
0x40: {  	_ =	swait.ge @!p0 [sflag:s0], s1  }
0x41: {  	s1 =	ssub.s32 @!p0 $0x0, s1;
	[sflag:s0] =	ssyncset.done @!p0 $0x0  }
0x42: {  	[sflag:s0] =	ssyncadd.s32 @!p0 s1  }
0x43: {  	[bflag:$0x3] =	sbarrier.arrive $0xFFFF  }
0x44: {  	_ =	shalt  }

</sc_bundles>
